<compile_context>
chip_gen: v7x
topology: tpu7x:2x2x1
jax: 0.10.2.dev20260603
libtpu: 0.0.44.dev20260713+nightly
codegen_flags: <defaults>
</compile_context>

<pallas_src>
import functools

import jax
import jax.numpy as jnp
from jax import lax
from jax.experimental import pallas as pl
from jax.experimental.pallas import tpu as pltpu
from jax.experimental.pallas import tpu_sc as plsc

N_NODES = 10000
N_EDGES = 160000
D_FEAT = 256

NC = 2
NS = 16
L = 16

DH = D_FEAT // NC
EPT = N_EDGES // NS
B = 80
NBLK = EPT // B
RPT = 624
RPT_LAST = N_NODES - (NS - 1) * RPT


def _body(atom_lo, atom_hi, bond, src_idx, dst_idx, out,
          acc, dst_v0, dst_v1, src_v0, src_v1, gath_v0, gath_v1,
          bond_v0, bond_v1, gsem, bsem, ssem):
    c = lax.axis_index("c")
    s = lax.axis_index("s")
    r0 = s * RPT
    col = c * DH
    dst_b = (dst_v0, dst_v1)
    src_b = (src_v0, src_v1)
    gath_b = (gath_v0, gath_v1)
    bond_b = (bond_v0, bond_v1)

    def init(n):
        @pl.when(jnp.logical_and(c == 0, (s == NS - 1) == (n == RPT_LAST)))
        def _():
            pltpu.sync_copy(atom_lo.at[pl.ds(r0, n)], acc.at[pl.ds(r0, n)])

        @pl.when(jnp.logical_and(c == 1, (s == NS - 1) == (n == RPT_LAST)))
        def _():
            pltpu.sync_copy(atom_hi.at[pl.ds(r0, n)], acc.at[pl.ds(r0, n)])

    init(RPT)
    init(RPT_LAST)

    plsc.subcore_barrier()

    e_base = s * EPT

    def start_loads(p, ib):
        e0 = e_base + ib * B
        pltpu.sync_copy(dst_idx.at[pl.ds(e0, B)], dst_b[p])
        pltpu.sync_copy(src_idx.at[pl.ds(e0, B)], src_b[p])

        @pl.when(c == 0)
        def _():
            pltpu.async_copy(atom_lo.at[dst_b[p]], gath_b[p], gsem)

        @pl.when(c == 1)
        def _():
            pltpu.async_copy(atom_hi.at[dst_b[p]], gath_b[p], gsem)

        pltpu.async_copy(bond.at[pl.ds(e0, B), pl.ds(col, DH)],
                         bond_b[p], bsem)

    def wait_loads(p):
        pltpu.make_async_copy(atom_lo.at[dst_b[p]], gath_b[p], gsem).wait()
        pltpu.make_async_copy(bond.at[pl.ds(0, B), pl.ds(col, DH)],
                              bond_b[p], bsem).wait()

    def compute(p):
        gv = gath_b[p]
        bv = bond_b[p]

        def row(b, carry2):
            for j in range(DH // L):
                sl = pl.ds(j * L, L)
                bv[b, sl] = bv[b, sl] * gv[b, sl]
            return carry2

        lax.fori_loop(0, B, row, 0)

    def scatter_start(p):
        pltpu.async_copy(bond_b[p], acc.at[src_b[p]], ssem, add=True)

    def scatter_wait(p):
        pltpu.make_async_copy(bond_b[p], acc.at[src_b[p]], ssem).wait()

    start_loads(0, 0)

    def pair(k, carry):
        i0 = 2 * k

        @pl.when(k > 0)
        def _():
            scatter_wait(1)

        start_loads(1, i0 + 1)
        wait_loads(0)
        compute(0)
        scatter_start(0)
        wait_loads(1)
        compute(1)
        scatter_wait(0)
        start_loads(0, i0 + 2)
        scatter_start(1)
        return carry

    lax.fori_loop(0, (NBLK - 1) // 2, pair, 0)

    wait_loads(0)
    compute(0)
    scatter_wait(1)
    pltpu.sync_copy(bond_v0, acc.at[src_v0], add=True)

    plsc.subcore_barrier()

    def writeout(n):
        @pl.when((s == NS - 1) == (n == RPT_LAST))
        def _():
            pltpu.sync_copy(acc.at[pl.ds(r0, n)],
                            out.at[pl.ds(r0, n), pl.ds(col, DH)])

    writeout(RPT)
    writeout(RPT_LAST)


@jax.jit
def _run(atom_lo, atom_hi, bond, src_idx, dst_idx):
    mesh = plsc.VectorSubcoreMesh(core_axis_name="c", subcore_axis_name="s")
    return pl.kernel(
        _body,
        out_type=jax.ShapeDtypeStruct((N_NODES, D_FEAT), jnp.float32),
        mesh=mesh,
        scratch_types=[
            pltpu.VMEM_SHARED((N_NODES, DH), jnp.float32),
            pltpu.VMEM((B,), jnp.int32),
            pltpu.VMEM((B,), jnp.int32),
            pltpu.VMEM((B,), jnp.int32),
            pltpu.VMEM((B,), jnp.int32),
            pltpu.VMEM((B, DH), jnp.float32),
            pltpu.VMEM((B, DH), jnp.float32),
            pltpu.VMEM((B, DH), jnp.float32),
            pltpu.VMEM((B, DH), jnp.float32),
            pltpu.SemaphoreType.DMA,
            pltpu.SemaphoreType.DMA,
            pltpu.SemaphoreType.DMA,
        ],
    )(atom_lo, atom_hi, bond, src_idx, dst_idx)


def kernel(atom_features, bond_features, connectivity):
    atom_lo = atom_features[:, :DH]
    atom_hi = atom_features[:, DH:]
    src_idx = connectivity[:, 0].astype(jnp.int32)
    dst_idx = connectivity[:, 1].astype(jnp.int32)
    return _run(atom_lo, atom_hi, bond_features, src_idx, dst_idx)

# --- scband reference (transcript-rebuilt; emitter-appended) ---
"""Pipeline reference for scband-message-passing-layer-65755949302023 (READ-ONLY COPY).

The authoritative reference and input builder live on the scoring server;
editing this copy changes nothing except your own understanding.
"""

import jax, jax.numpy as jnp
import numpy as np

N_NODES = 10000
N_EDGES = 160000
D_FEAT = 256


def setup_inputs(seed: int = 0) -> dict:
    key = jax.random.key(seed)
    k1, k2, k3, k4 = jax.random.split(key, 4)
    atom_features = jax.random.normal(k1, (N_NODES, D_FEAT), dtype=jnp.float32)
    bond_features = jax.random.normal(k2, (N_EDGES, D_FEAT), dtype=jnp.float32)
    # segment_sum in the original TF code requires connectivity[:, 0] (the segment ids)
    # to be sorted, so sort the source-atom column.
    src = jnp.sort(jax.random.randint(k3, (N_EDGES,), 0, N_NODES, dtype=jnp.int64))
    dst = jax.random.randint(k4, (N_EDGES,), 0, N_NODES, dtype=jnp.int64)
    connectivity = jnp.stack([src, dst], axis=1)
    return {"atom_features": atom_features, "bond_features": bond_features, "connectivity": connectivity}


def reference(atom_features, bond_features, connectivity):
    # source_atom is gathered in the original forward but unused (dead code kept for fidelity)
    source_atom = jnp.take(atom_features, connectivity[:, 0], axis=0)
    target_atom = jnp.take(atom_features, connectivity[:, 1], axis=0)
    all_messages = bond_features * target_atom
    messages = jax.ops.segment_sum(all_messages, connectivity[:, 0], num_segments=atom_features.shape[0])
    return atom_features + messages

if __name__ == "__main__":
    import jax
    _d = setup_inputs()
    print(jax.jit(kernel)(*tuple(_d.values())))

</pallas_src>

<mosaic_0001>
#map = affine_map<(d0, d1) -> (0, 0)>
#map1 = affine_map<(d0, d1) -> (0)>
module attributes {stable_mosaic.version = 14 : i64} {
  func.func @_body(%arg0: i32, %arg1: i32, %arg2: memref<10000x128xf32, #tpu.memory_space<hbm>>, %arg3: memref<10000x128xf32, #tpu.memory_space<hbm>>, %arg4: memref<160000x256xf32, #tpu.memory_space<hbm>>, %arg5: memref<160000xi32, #tpu.memory_space<hbm>>, %arg6: memref<160000xi32, #tpu.memory_space<hbm>>, %arg7: memref<10000x256xf32, #tpu.memory_space<hbm>>, %arg8: memref<10000x128xf32, #tpu.memory_space<vmem_shared>>, %arg9: memref<80xi32, #tpu.memory_space<vmem>>, %arg10: memref<80xi32, #tpu.memory_space<vmem>>, %arg11: memref<80xi32, #tpu.memory_space<vmem>>, %arg12: memref<80xi32, #tpu.memory_space<vmem>>, %arg13: memref<80x128xf32, #tpu.memory_space<vmem>>, %arg14: memref<80x128xf32, #tpu.memory_space<vmem>>, %arg15: memref<80x128xf32, #tpu.memory_space<vmem>>, %arg16: memref<80x128xf32, #tpu.memory_space<vmem>>, %arg17: memref<!tpu.dma_semaphore, #tpu.memory_space<semaphore_mem>>, %arg18: memref<!tpu.dma_semaphore, #tpu.memory_space<semaphore_mem>>, %arg19: memref<!tpu.dma_semaphore, #tpu.memory_space<semaphore_mem>>) attributes {dimension_semantics = [#tpu.dimension_semantics<core_parallel>, #tpu.dimension_semantics<subcore_parallel>], iteration_bounds = array<i64: 2, 16>, scalar_prefetch = 0 : i64, scratch_operands = 12 : i64, tpu.core_type = #tpu.core_type<sc_vector_subcore>, window_params = [{transform_indices = #map}, {transform_indices = #map}, {transform_indices = #map}, {transform_indices = #map1}, {transform_indices = #map1}, {transform_indices = #map}]} {
    %mul3A = arith.constant 624 : i32
    %mul3A_0 = arith.muli %arg1, %mul3A : i32
    %mul3A_1 = arith.constant 128 : i32
    %mul3A_2 = arith.muli %arg0, %mul3A_1 : i32
    %eq3A = arith.constant 0 : i32
    %eq3A_3 = arith.cmpi eq, %arg0, %eq3A : i32
    %eq3A_4 = arith.constant 15 : i32
    %eq3A_5 = arith.cmpi eq, %arg1, %eq3A_4 : i32
    %eq3A_6 = arith.constant false
    %eq3A_7 = arith.xori %eq3A_5, %eq3A_6 : i1
    %eq3A_8 = arith.constant true
    %eq3A_9 = arith.xori %eq3A_7, %eq3A_8 : i1
    %and3A = arith.andi %eq3A_3, %eq3A_9 : i1
    %convert_element_type3A = arith.extui %and3A : i1 to i32
    %cond3A = arith.constant 0 : i32
    %cond3A_10 = arith.cmpi ne, %convert_element_type3A, %cond3A : i32
    scf.if %cond3A_10 {
      "tpu.region"() ({
        %run_scoped3A = tpu.sem_alloc : memref<!tpu.dma_semaphore, #tpu.memory_space<semaphore_mem>>
        %dma_start3A_100 = arith.constant 0 : i32
        %dma_start3A_101 = tpu.memref_slice %arg8[%mul3A_0, %dma_start3A_100] : memref<10000x128xf32, #tpu.memory_space<vmem_shared>> -> memref<624x128xf32, #tpu.memory_space<vmem_shared>>
        %dma_start3A_102 = arith.constant 0 : i32
        %dma_start3A_103 = tpu.memref_slice %arg2[%mul3A_0, %dma_start3A_102] : memref<10000x128xf32, #tpu.memory_space<hbm>> -> memref<624x128xf32, #tpu.memory_space<hbm>>
        tpu.enqueue_dma source(%dma_start3A_103 : memref<624x128xf32, #tpu.memory_space<hbm>>) target(%dma_start3A_101 : memref<624x128xf32, #tpu.memory_space<vmem_shared>>) target_semaphore(%run_scoped3A : memref<!tpu.dma_semaphore, #tpu.memory_space<semaphore_mem>>)
        %dma_wait3A_104 = arith.constant 0 : i32
        %dma_wait3A_105 = tpu.memref_slice %arg8[%mul3A_0, %dma_wait3A_104] : memref<10000x128xf32, #tpu.memory_space<vmem_shared>> -> memref<624x128xf32, #tpu.memory_space<vmem_shared>>
        %dma_wait3A_106 = arith.constant 0 : i32
        %dma_wait3A_107 = tpu.memref_slice %arg2[%mul3A_0, %dma_wait3A_106] : memref<10000x128xf32, #tpu.memory_space<hbm>> -> memref<624x128xf32, #tpu.memory_space<hbm>>
        tpu.wait_dma2 semaphore(%run_scoped3A : memref<!tpu.dma_semaphore, #tpu.memory_space<semaphore_mem>>) src(%dma_wait3A_107 : memref<624x128xf32, #tpu.memory_space<hbm>>) dst(%dma_wait3A_105 : memref<624x128xf32, #tpu.memory_space<vmem_shared>>)
        tpu.yield
      }) : () -> ()
    } else {
    }
    %eq3A_11 = arith.constant 1 : i32
    %eq3A_12 = arith.cmpi eq, %arg0, %eq3A_11 : i32
    %eq3A_13 = arith.constant 15 : i32
    %eq3A_14 = arith.cmpi eq, %arg1, %eq3A_13 : i32
    %eq3A_15 = arith.constant false
    %eq3A_16 = arith.xori %eq3A_14, %eq3A_15 : i1
    %eq3A_17 = arith.constant true
    %eq3A_18 = arith.xori %eq3A_16, %eq3A_17 : i1
    %and3A_19 = arith.andi %eq3A_12, %eq3A_18 : i1
    %convert_element_type3A_20 = arith.extui %and3A_19 : i1 to i32
    %cond3A_21 = arith.constant 0 : i32
    %cond3A_22 = arith.cmpi ne, %convert_element_type3A_20, %cond3A_21 : i32
    scf.if %cond3A_22 {
      "tpu.region"() ({
        %run_scoped3A = tpu.sem_alloc : memref<!tpu.dma_semaphore, #tpu.memory_space<semaphore_mem>>
        %dma_start3A_100 = arith.constant 0 : i32
        %dma_start3A_101 = tpu.memref_slice %arg8[%mul3A_0, %dma_start3A_100] : memref<10000x128xf32, #tpu.memory_space<vmem_shared>> -> memref<624x128xf32, #tpu.memory_space<vmem_shared>>
        %dma_start3A_102 = arith.constant 0 : i32
        %dma_start3A_103 = tpu.memref_slice %arg3[%mul3A_0, %dma_start3A_102] : memref<10000x128xf32, #tpu.memory_space<hbm>> -> memref<624x128xf32, #tpu.memory_space<hbm>>
        tpu.enqueue_dma source(%dma_start3A_103 : memref<624x128xf32, #tpu.memory_space<hbm>>) target(%dma_start3A_101 : memref<624x128xf32, #tpu.memory_space<vmem_shared>>) target_semaphore(%run_scoped3A : memref<!tpu.dma_semaphore, #tpu.memory_space<semaphore_mem>>)
        %dma_wait3A_104 = arith.constant 0 : i32
        %dma_wait3A_105 = tpu.memref_slice %arg8[%mul3A_0, %dma_wait3A_104] : memref<10000x128xf32, #tpu.memory_space<vmem_shared>> -> memref<624x128xf32, #tpu.memory_space<vmem_shared>>
        %dma_wait3A_106 = arith.constant 0 : i32
        %dma_wait3A_107 = tpu.memref_slice %arg3[%mul3A_0, %dma_wait3A_106] : memref<10000x128xf32, #tpu.memory_space<hbm>> -> memref<624x128xf32, #tpu.memory_space<hbm>>
        tpu.wait_dma2 semaphore(%run_scoped3A : memref<!tpu.dma_semaphore, #tpu.memory_space<semaphore_mem>>) src(%dma_wait3A_107 : memref<624x128xf32, #tpu.memory_space<hbm>>) dst(%dma_wait3A_105 : memref<624x128xf32, #tpu.memory_space<vmem_shared>>)
        tpu.yield
      }) : () -> ()
    } else {
    }
    %eq3A_23 = arith.constant 0 : i32
    %eq3A_24 = arith.cmpi eq, %arg0, %eq3A_23 : i32
    %eq3A_25 = arith.constant 15 : i32
    %eq3A_26 = arith.cmpi eq, %arg1, %eq3A_25 : i32
    %eq3A_27 = arith.constant true
    %eq3A_28 = arith.xori %eq3A_26, %eq3A_27 : i1
    %eq3A_29 = arith.constant true
    %eq3A_30 = arith.xori %eq3A_28, %eq3A_29 : i1
    %and3A_31 = arith.andi %eq3A_24, %eq3A_30 : i1
    %convert_element_type3A_32 = arith.extui %and3A_31 : i1 to i32
    %cond3A_33 = arith.constant 0 : i32
    %cond3A_34 = arith.cmpi ne, %convert_element_type3A_32, %cond3A_33 : i32
    scf.if %cond3A_34 {
      "tpu.region"() ({
        %run_scoped3A = tpu.sem_alloc : memref<!tpu.dma_semaphore, #tpu.memory_space<semaphore_mem>>
        %dma_start3A_100 = arith.constant 0 : i32
        %dma_start3A_101 = tpu.memref_slice %arg8[%mul3A_0, %dma_start3A_100] : memref<10000x128xf32, #tpu.memory_space<vmem_shared>> -> memref<640x128xf32, #tpu.memory_space<vmem_shared>>
        %dma_start3A_102 = arith.constant 0 : i32
        %dma_start3A_103 = tpu.memref_slice %arg2[%mul3A_0, %dma_start3A_102] : memref<10000x128xf32, #tpu.memory_space<hbm>> -> memref<640x128xf32, #tpu.memory_space<hbm>>
        tpu.enqueue_dma source(%dma_start3A_103 : memref<640x128xf32, #tpu.memory_space<hbm>>) target(%dma_start3A_101 : memref<640x128xf32, #tpu.memory_space<vmem_shared>>) target_semaphore(%run_scoped3A : memref<!tpu.dma_semaphore, #tpu.memory_space<semaphore_mem>>)
        %dma_wait3A_104 = arith.constant 0 : i32
        %dma_wait3A_105 = tpu.memref_slice %arg8[%mul3A_0, %dma_wait3A_104] : memref<10000x128xf32, #tpu.memory_space<vmem_shared>> -> memref<640x128xf32, #tpu.memory_space<vmem_shared>>
        %dma_wait3A_106 = arith.constant 0 : i32
        %dma_wait3A_107 = tpu.memref_slice %arg2[%mul3A_0, %dma_wait3A_106] : memref<10000x128xf32, #tpu.memory_space<hbm>> -> memref<640x128xf32, #tpu.memory_space<hbm>>
        tpu.wait_dma2 semaphore(%run_scoped3A : memref<!tpu.dma_semaphore, #tpu.memory_space<semaphore_mem>>) src(%dma_wait3A_107 : memref<640x128xf32, #tpu.memory_space<hbm>>) dst(%dma_wait3A_105 : memref<640x128xf32, #tpu.memory_space<vmem_shared>>)
        tpu.yield
      }) : () -> ()
    } else {
    }
    %eq3A_35 = arith.constant 1 : i32
    %eq3A_36 = arith.cmpi eq, %arg0, %eq3A_35 : i32
    %eq3A_37 = arith.constant 15 : i32
    %eq3A_38 = arith.cmpi eq, %arg1, %eq3A_37 : i32
    %eq3A_39 = arith.constant true
    %eq3A_40 = arith.xori %eq3A_38, %eq3A_39 : i1
    %eq3A_41 = arith.constant true
    %eq3A_42 = arith.xori %eq3A_40, %eq3A_41 : i1
    %and3A_43 = arith.andi %eq3A_36, %eq3A_42 : i1
    %convert_element_type3A_44 = arith.extui %and3A_43 : i1 to i32
    %cond3A_45 = arith.constant 0 : i32
    %cond3A_46 = arith.cmpi ne, %convert_element_type3A_44, %cond3A_45 : i32
    scf.if %cond3A_46 {
      "tpu.region"() ({
        %run_scoped3A = tpu.sem_alloc : memref<!tpu.dma_semaphore, #tpu.memory_space<semaphore_mem>>
        %dma_start3A_100 = arith.constant 0 : i32
        %dma_start3A_101 = tpu.memref_slice %arg8[%mul3A_0, %dma_start3A_100] : memref<10000x128xf32, #tpu.memory_space<vmem_shared>> -> memref<640x128xf32, #tpu.memory_space<vmem_shared>>
        %dma_start3A_102 = arith.constant 0 : i32
        %dma_start3A_103 = tpu.memref_slice %arg3[%mul3A_0, %dma_start3A_102] : memref<10000x128xf32, #tpu.memory_space<hbm>> -> memref<640x128xf32, #tpu.memory_space<hbm>>
        tpu.enqueue_dma source(%dma_start3A_103 : memref<640x128xf32, #tpu.memory_space<hbm>>) target(%dma_start3A_101 : memref<640x128xf32, #tpu.memory_space<vmem_shared>>) target_semaphore(%run_scoped3A : memref<!tpu.dma_semaphore, #tpu.memory_space<semaphore_mem>>)
        %dma_wait3A_104 = arith.constant 0 : i32
        %dma_wait3A_105 = tpu.memref_slice %arg8[%mul3A_0, %dma_wait3A_104] : memref<10000x128xf32, #tpu.memory_space<vmem_shared>> -> memref<640x128xf32, #tpu.memory_space<vmem_shared>>
        %dma_wait3A_106 = arith.constant 0 : i32
        %dma_wait3A_107 = tpu.memref_slice %arg3[%mul3A_0, %dma_wait3A_106] : memref<10000x128xf32, #tpu.memory_space<hbm>> -> memref<640x128xf32, #tpu.memory_space<hbm>>
        tpu.wait_dma2 semaphore(%run_scoped3A : memref<!tpu.dma_semaphore, #tpu.memory_space<semaphore_mem>>) src(%dma_wait3A_107 : memref<640x128xf32, #tpu.memory_space<hbm>>) dst(%dma_wait3A_105 : memref<640x128xf32, #tpu.memory_space<vmem_shared>>)
        tpu.yield
      }) : () -> ()
    } else {
    }
    %barrier3A = arith.constant 0 : index
    tpu.barrier barrier_id(%barrier3A)
    %mul3A_47 = arith.constant 10000 : i32
    %mul3A_48 = arith.muli %arg1, %mul3A_47 : i32
    %add3A = arith.constant 0 : i32
    %add3A_49 = arith.addi %mul3A_48, %add3A : i32
    "tpu.region"() ({
      %run_scoped3A = tpu.sem_alloc : memref<!tpu.dma_semaphore, #tpu.memory_space<semaphore_mem>>
      %dma_start3A_100 = tpu.memref_slice %arg6[%add3A_49] : memref<160000xi32, #tpu.memory_space<hbm>> -> memref<80xi32, #tpu.memory_space<hbm>>
      %dma_start3A_101 = tpu.memref_slice %arg6[%add3A_49] : memref<160000xi32, #tpu.memory_space<hbm>> -> memref<80xi32, #tpu.memory_space<hbm>>
      tpu.enqueue_dma source(%dma_start3A_101 : memref<80xi32, #tpu.memory_space<hbm>>) target(%arg9 : memref<80xi32, #tpu.memory_space<vmem>>) target_semaphore(%run_scoped3A : memref<!tpu.dma_semaphore, #tpu.memory_space<semaphore_mem>>)
      %dma_wait3A_102 = tpu.memref_slice %arg6[%add3A_49] : memref<160000xi32, #tpu.memory_space<hbm>> -> memref<80xi32, #tpu.memory_space<hbm>>
      %dma_wait3A_103 = tpu.memref_slice %arg6[%add3A_49] : memref<160000xi32, #tpu.memory_space<hbm>> -> memref<80xi32, #tpu.memory_space<hbm>>
      tpu.wait_dma2 semaphore(%run_scoped3A : memref<!tpu.dma_semaphore, #tpu.memory_space<semaphore_mem>>) src(%dma_wait3A_103 : memref<80xi32, #tpu.memory_space<hbm>>) dst(%arg9 : memref<80xi32, #tpu.memory_space<vmem>>)
      tpu.yield
    }) : () -> ()
    "tpu.region"() ({
      %run_scoped3A = tpu.sem_alloc : memref<!tpu.dma_semaphore, #tpu.memory_space<semaphore_mem>>
      %dma_start3A_100 = tpu.memref_slice %arg5[%add3A_49] : memref<160000xi32, #tpu.memory_space<hbm>> -> memref<80xi32, #tpu.memory_space<hbm>>
      %dma_start3A_101 = tpu.memref_slice %arg5[%add3A_49] : memref<160000xi32, #tpu.memory_space<hbm>> -> memref<80xi32, #tpu.memory_space<hbm>>
      tpu.enqueue_dma source(%dma_start3A_101 : memref<80xi32, #tpu.memory_space<hbm>>) target(%arg11 : memref<80xi32, #tpu.memory_space<vmem>>) target_semaphore(%run_scoped3A : memref<!tpu.dma_semaphore, #tpu.memory_space<semaphore_mem>>)
      %dma_wait3A_102 = tpu.memref_slice %arg5[%add3A_49] : memref<160000xi32, #tpu.memory_space<hbm>> -> memref<80xi32, #tpu.memory_space<hbm>>
      %dma_wait3A_103 = tpu.memref_slice %arg5[%add3A_49] : memref<160000xi32, #tpu.memory_space<hbm>> -> memref<80xi32, #tpu.memory_space<hbm>>
      tpu.wait_dma2 semaphore(%run_scoped3A : memref<!tpu.dma_semaphore, #tpu.memory_space<semaphore_mem>>) src(%dma_wait3A_103 : memref<80xi32, #tpu.memory_space<hbm>>) dst(%arg11 : memref<80xi32, #tpu.memory_space<vmem>>)
      tpu.yield
    }) : () -> ()
    %eq3A_50 = arith.constant 0 : i32
    %eq3A_51 = arith.cmpi eq, %arg0, %eq3A_50 : i32
    %convert_element_type3A_52 = arith.extui %eq3A_51 : i1 to i32
    %cond3A_53 = arith.constant 0 : i32
    %cond3A_54 = arith.cmpi ne, %convert_element_type3A_52, %cond3A_53 : i32
    scf.if %cond3A_54 {
      %dma_start3A_100 = arith.constant 0 : i32
      %dma_start3A_101 = arith.constant 0 : i32
      %dma_start3A_102 = tpu.memref_slice %arg2[%dma_start3A_100, %dma_start3A_101] : memref<10000x128xf32, #tpu.memory_space<hbm>> -> memref<10000x128xf32, #tpu.memory_space<hbm>>
      tpu.enqueue_indirect_dma source(%dma_start3A_102 : memref<10000x128xf32, #tpu.memory_space<hbm>>) target(%arg13 : memref<80x128xf32, #tpu.memory_space<vmem>>) offsets(%arg9 : memref<80xi32, #tpu.memory_space<vmem>>) semaphore(%arg17 : memref<!tpu.dma_semaphore, #tpu.memory_space<semaphore_mem>>)
    } else {
    }
    %eq3A_55 = arith.constant 1 : i32
    %eq3A_56 = arith.cmpi eq, %arg0, %eq3A_55 : i32
    %convert_element_type3A_57 = arith.extui %eq3A_56 : i1 to i32
    %cond3A_58 = arith.constant 0 : i32
    %cond3A_59 = arith.cmpi ne, %convert_element_type3A_57, %cond3A_58 : i32
    scf.if %cond3A_59 {
      %dma_start3A_100 = arith.constant 0 : i32
      %dma_start3A_101 = arith.constant 0 : i32
      %dma_start3A_102 = tpu.memref_slice %arg3[%dma_start3A_100, %dma_start3A_101] : memref<10000x128xf32, #tpu.memory_space<hbm>> -> memref<10000x128xf32, #tpu.memory_space<hbm>>
      tpu.enqueue_indirect_dma source(%dma_start3A_102 : memref<10000x128xf32, #tpu.memory_space<hbm>>) target(%arg13 : memref<80x128xf32, #tpu.memory_space<vmem>>) offsets(%arg9 : memref<80xi32, #tpu.memory_space<vmem>>) semaphore(%arg17 : memref<!tpu.dma_semaphore, #tpu.memory_space<semaphore_mem>>)
    } else {
    }
    %dma_start3A = tpu.memref_slice %arg4[%add3A_49, %mul3A_2] : memref<160000x256xf32, #tpu.memory_space<hbm>> -> memref<80x128xf32, #tpu.memory_space<hbm>>
    %dma_start3A_60 = tpu.memref_slice %arg4[%add3A_49, %mul3A_2] : memref<160000x256xf32, #tpu.memory_space<hbm>> -> memref<80x128xf32, #tpu.memory_space<hbm>>
    tpu.enqueue_dma source(%dma_start3A_60 : memref<80x128xf32, #tpu.memory_space<hbm>>) target(%arg15 : memref<80x128xf32, #tpu.memory_space<vmem>>) target_semaphore(%arg18 : memref<!tpu.dma_semaphore, #tpu.memory_space<semaphore_mem>>)
    %scan3A = arith.constant 0 : i32
    %scan3A_61 = arith.constant 0 : i32
    %scan3A_62 = arith.constant 62 : i32
    %scan3A_63 = arith.addi %scan3A_61, %scan3A_62 : i32
    %scan3A_64 = arith.constant 1 : i32
    scf.for %scan3A_100 = %scan3A_61 to %scan3A_63 step %scan3A_64  : i32 {
      %mul3A_101 = arith.constant 2 : i32
      %mul3A_102 = arith.muli %mul3A_101, %scan3A_100 : i32
      %gt3A = arith.constant 0 : i32
      %gt3A_103 = arith.cmpi sgt, %scan3A_100, %gt3A : i32
      %convert_element_type3A_104 = arith.extui %gt3A_103 : i1 to i32
      %cond3A_105 = arith.constant 0 : i32
      %cond3A_106 = arith.cmpi ne, %convert_element_type3A_104, %cond3A_105 : i32
      scf.if %cond3A_106 {
        %dma_wait3A_176 = arith.constant 0 : i32
        %dma_wait3A_177 = arith.constant 0 : i32
        %dma_wait3A_178 = tpu.memref_slice %arg8[%dma_wait3A_176, %dma_wait3A_177] : memref<10000x128xf32, #tpu.memory_space<vmem_shared>> -> memref<10000x128xf32, #tpu.memory_space<vmem_shared>>
        tpu.wait_indirect_dma semaphore(%arg19 : memref<!tpu.dma_semaphore, #tpu.memory_space<semaphore_mem>>) src(%arg16 : memref<80x128xf32, #tpu.memory_space<vmem>>) dst(%dma_wait3A_178 : memref<10000x128xf32, #tpu.memory_space<vmem_shared>>)
      } else {
      }
      %add3A_107 = arith.constant 1 : i32
      %add3A_108 = arith.addi %mul3A_102, %add3A_107 : i32
      %mul3A_109 = arith.constant 80 : i32
      %mul3A_110 = arith.muli %add3A_108, %mul3A_109 : i32
      %add3A_111 = arith.addi %mul3A_48, %mul3A_110 : i32
      "tpu.region"() ({
        %run_scoped3A = tpu.sem_alloc : memref<!tpu.dma_semaphore, #tpu.memory_space<semaphore_mem>>
        %dma_start3A_176 = tpu.memref_slice %arg6[%add3A_111] : memref<160000xi32, #tpu.memory_space<hbm>> -> memref<80xi32, #tpu.memory_space<hbm>>
        %dma_start3A_177 = tpu.memref_slice %arg6[%add3A_111] : memref<160000xi32, #tpu.memory_space<hbm>> -> memref<80xi32, #tpu.memory_space<hbm>>
        tpu.enqueue_dma source(%dma_start3A_177 : memref<80xi32, #tpu.memory_space<hbm>>) target(%arg10 : memref<80xi32, #tpu.memory_space<vmem>>) target_semaphore(%run_scoped3A : memref<!tpu.dma_semaphore, #tpu.memory_space<semaphore_mem>>)
        %dma_wait3A_178 = tpu.memref_slice %arg6[%add3A_111] : memref<160000xi32, #tpu.memory_space<hbm>> -> memref<80xi32, #tpu.memory_space<hbm>>
        %dma_wait3A_179 = tpu.memref_slice %arg6[%add3A_111] : memref<160000xi32, #tpu.memory_space<hbm>> -> memref<80xi32, #tpu.memory_space<hbm>>
        tpu.wait_dma2 semaphore(%run_scoped3A : memref<!tpu.dma_semaphore, #tpu.memory_space<semaphore_mem>>) src(%dma_wait3A_179 : memref<80xi32, #tpu.memory_space<hbm>>) dst(%arg10 : memref<80xi32, #tpu.memory_space<vmem>>)
        tpu.yield
      }) : () -> ()
      "tpu.region"() ({
        %run_scoped3A = tpu.sem_alloc : memref<!tpu.dma_semaphore, #tpu.memory_space<semaphore_mem>>
        %dma_start3A_176 = tpu.memref_slice %arg5[%add3A_111] : memref<160000xi32, #tpu.memory_space<hbm>> -> memref<80xi32, #tpu.memory_space<hbm>>
        %dma_start3A_177 = tpu.memref_slice %arg5[%add3A_111] : memref<160000xi32, #tpu.memory_space<hbm>> -> memref<80xi32, #tpu.memory_space<hbm>>
        tpu.enqueue_dma source(%dma_start3A_177 : memref<80xi32, #tpu.memory_space<hbm>>) target(%arg12 : memref<80xi32, #tpu.memory_space<vmem>>) target_semaphore(%run_scoped3A : memref<!tpu.dma_semaphore, #tpu.memory_space<semaphore_mem>>)
        %dma_wait3A_178 = tpu.memref_slice %arg5[%add3A_111] : memref<160000xi32, #tpu.memory_space<hbm>> -> memref<80xi32, #tpu.memory_space<hbm>>
        %dma_wait3A_179 = tpu.memref_slice %arg5[%add3A_111] : memref<160000xi32, #tpu.memory_space<hbm>> -> memref<80xi32, #tpu.memory_space<hbm>>
        tpu.wait_dma2 semaphore(%run_scoped3A : memref<!tpu.dma_semaphore, #tpu.memory_space<semaphore_mem>>) src(%dma_wait3A_179 : memref<80xi32, #tpu.memory_space<hbm>>) dst(%arg12 : memref<80xi32, #tpu.memory_space<vmem>>)
        tpu.yield
      }) : () -> ()
      %eq3A_112 = arith.constant 0 : i32
      %eq3A_113 = arith.cmpi eq, %arg0, %eq3A_112 : i32
      %convert_element_type3A_114 = arith.extui %eq3A_113 : i1 to i32
      %cond3A_115 = arith.constant 0 : i32
      %cond3A_116 = arith.cmpi ne, %convert_element_type3A_114, %cond3A_115 : i32
      scf.if %cond3A_116 {
        %dma_start3A_176 = arith.constant 0 : i32
        %dma_start3A_177 = arith.constant 0 : i32
        %dma_start3A_178 = tpu.memref_slice %arg2[%dma_start3A_176, %dma_start3A_177] : memref<10000x128xf32, #tpu.memory_space<hbm>> -> memref<10000x128xf32, #tpu.memory_space<hbm>>
        tpu.enqueue_indirect_dma source(%dma_start3A_178 : memref<10000x128xf32, #tpu.memory_space<hbm>>) target(%arg14 : memref<80x128xf32, #tpu.memory_space<vmem>>) offsets(%arg10 : memref<80xi32, #tpu.memory_space<vmem>>) semaphore(%arg17 : memref<!tpu.dma_semaphore, #tpu.memory_space<semaphore_mem>>)
      } else {
      }
      %eq3A_117 = arith.constant 1 : i32
      %eq3A_118 = arith.cmpi eq, %arg0, %eq3A_117 : i32
      %convert_element_type3A_119 = arith.extui %eq3A_118 : i1 to i32
      %cond3A_120 = arith.constant 0 : i32
      %cond3A_121 = arith.cmpi ne, %convert_element_type3A_119, %cond3A_120 : i32
      scf.if %cond3A_121 {
        %dma_start3A_176 = arith.constant 0 : i32
        %dma_start3A_177 = arith.constant 0 : i32
        %dma_start3A_178 = tpu.memref_slice %arg3[%dma_start3A_176, %dma_start3A_177] : memref<10000x128xf32, #tpu.memory_space<hbm>> -> memref<10000x128xf32, #tpu.memory_space<hbm>>
        tpu.enqueue_indirect_dma source(%dma_start3A_178 : memref<10000x128xf32, #tpu.memory_space<hbm>>) target(%arg14 : memref<80x128xf32, #tpu.memory_space<vmem>>) offsets(%arg10 : memref<80xi32, #tpu.memory_space<vmem>>) semaphore(%arg17 : memref<!tpu.dma_semaphore, #tpu.memory_space<semaphore_mem>>)
      } else {
      }
      %dma_start3A_122 = tpu.memref_slice %arg4[%add3A_111, %mul3A_2] : memref<160000x256xf32, #tpu.memory_space<hbm>> -> memref<80x128xf32, #tpu.memory_space<hbm>>
      %dma_start3A_123 = tpu.memref_slice %arg4[%add3A_111, %mul3A_2] : memref<160000x256xf32, #tpu.memory_space<hbm>> -> memref<80x128xf32, #tpu.memory_space<hbm>>
      tpu.enqueue_dma source(%dma_start3A_123 : memref<80x128xf32, #tpu.memory_space<hbm>>) target(%arg16 : memref<80x128xf32, #tpu.memory_space<vmem>>) target_semaphore(%arg18 : memref<!tpu.dma_semaphore, #tpu.memory_space<semaphore_mem>>)
      %dma_wait3A_124 = arith.constant 0 : i32
      %dma_wait3A_125 = arith.constant 0 : i32
      %dma_wait3A_126 = tpu.memref_slice %arg2[%dma_wait3A_124, %dma_wait3A_125] : memref<10000x128xf32, #tpu.memory_space<hbm>> -> memref<10000x128xf32, #tpu.memory_space<hbm>>
      tpu.wait_indirect_dma semaphore(%arg17 : memref<!tpu.dma_semaphore, #tpu.memory_space<semaphore_mem>>) src(%dma_wait3A_126 : memref<10000x128xf32, #tpu.memory_space<hbm>>) dst(%arg13 : memref<80x128xf32, #tpu.memory_space<vmem>>)
      %dma_wait3A_127 = arith.constant 0 : i32
      %dma_wait3A_128 = tpu.memref_slice %arg4[%dma_wait3A_127, %mul3A_2] : memref<160000x256xf32, #tpu.memory_space<hbm>> -> memref<80x128xf32, #tpu.memory_space<hbm>>
      %dma_wait3A_129 = arith.constant 0 : i32
      %dma_wait3A_130 = tpu.memref_slice %arg4[%dma_wait3A_129, %mul3A_2] : memref<160000x256xf32, #tpu.memory_space<hbm>> -> memref<80x128xf32, #tpu.memory_space<hbm>>
      tpu.wait_dma2 semaphore(%arg18 : memref<!tpu.dma_semaphore, #tpu.memory_space<semaphore_mem>>) src(%dma_wait3A_130 : memref<80x128xf32, #tpu.memory_space<hbm>>) dst(%arg15 : memref<80x128xf32, #tpu.memory_space<vmem>>)
      %scan3A_131 = arith.constant 0 : i32
      %scan3A_132 = arith.constant 0 : i32
      %scan3A_133 = arith.constant 80 : i32
      %scan3A_134 = arith.addi %scan3A_132, %scan3A_133 : i32
      %scan3A_135 = arith.constant 1 : i32
      scf.for %scan3A_176 = %scan3A_132 to %scan3A_134 step %scan3A_135  : i32 {
        %get3A = arith.index_cast %scan3A_176 : i32 to index
        %get3A_177 = arith.constant 0 : index
        %get3A_178 = tpu.vector_load %arg15[%get3A, %get3A_177] {strides = array<i32>} : memref<80x128xf32, #tpu.memory_space<vmem>>, vector<1x16xf32>,
        %get3A_179 = vector.shape_cast %get3A_178 : vector<1x16xf32> to vector<16xf32>
        %get3A_180 = arith.index_cast %scan3A_176 : i32 to index
        %get3A_181 = arith.constant 0 : index
        %get3A_182 = tpu.vector_load %arg13[%get3A_180, %get3A_181] {strides = array<i32>} : memref<80x128xf32, #tpu.memory_space<vmem>>, vector<1x16xf32>,
        %get3A_183 = vector.shape_cast %get3A_182 : vector<1x16xf32> to vector<16xf32>
        %mul3A_184 = arith.mulf %get3A_179, %get3A_183 : vector<16xf32>
        %swap3A = arith.index_cast %scan3A_176 : i32 to index
        %swap3A_185 = arith.constant 0 : index
        %swap3A_186 = tpu.vector_load %arg15[%swap3A, %swap3A_185] {strides = array<i32>} : memref<80x128xf32, #tpu.memory_space<vmem>>, vector<1x16xf32>,
        %swap3A_187 = vector.shape_cast %swap3A_186 : vector<1x16xf32> to vector<16xf32>
        %swap3A_188 = vector.shape_cast %mul3A_184 : vector<16xf32> to vector<1x16xf32>
        tpu.vector_store %arg15[%swap3A, %swap3A_185], %swap3A_188 {strides = array<i32>} : memref<80x128xf32, #tpu.memory_space<vmem>>, vector<1x16xf32>,
        %get3A_189 = arith.index_cast %scan3A_176 : i32 to index
        %get3A_190 = arith.constant 16 : index
        %get3A_191 = tpu.vector_load %arg15[%get3A_189, %get3A_190] {strides = array<i32>} : memref<80x128xf32, #tpu.memory_space<vmem>>, vector<1x16xf32>,
        %get3A_192 = vector.shape_cast %get3A_191 : vector<1x16xf32> to vector<16xf32>
        %get3A_193 = arith.index_cast %scan3A_176 : i32 to index
        %get3A_194 = arith.constant 16 : index
        %get3A_195 = tpu.vector_load %arg13[%get3A_193, %get3A_194] {strides = array<i32>} : memref<80x128xf32, #tpu.memory_space<vmem>>, vector<1x16xf32>,
        %get3A_196 = vector.shape_cast %get3A_195 : vector<1x16xf32> to vector<16xf32>
        %mul3A_197 = arith.mulf %get3A_192, %get3A_196 : vector<16xf32>
        %swap3A_198 = arith.index_cast %scan3A_176 : i32 to index
        %swap3A_199 = arith.constant 16 : index
        %swap3A_200 = tpu.vector_load %arg15[%swap3A_198, %swap3A_199] {strides = array<i32>} : memref<80x128xf32, #tpu.memory_space<vmem>>, vector<1x16xf32>,
        %swap3A_201 = vector.shape_cast %swap3A_200 : vector<1x16xf32> to vector<16xf32>
        %swap3A_202 = vector.shape_cast %mul3A_197 : vector<16xf32> to vector<1x16xf32>
        tpu.vector_store %arg15[%swap3A_198, %swap3A_199], %swap3A_202 {strides = array<i32>} : memref<80x128xf32, #tpu.memory_space<vmem>>, vector<1x16xf32>,
        %get3A_203 = arith.index_cast %scan3A_176 : i32 to index
        %get3A_204 = arith.constant 32 : index
        %get3A_205 = tpu.vector_load %arg15[%get3A_203, %get3A_204] {strides = array<i32>} : memref<80x128xf32, #tpu.memory_space<vmem>>, vector<1x16xf32>,
        %get3A_206 = vector.shape_cast %get3A_205 : vector<1x16xf32> to vector<16xf32>
        %get3A_207 = arith.index_cast %scan3A_176 : i32 to index
        %get3A_208 = arith.constant 32 : index
        %get3A_209 = tpu.vector_load %arg13[%get3A_207, %get3A_208] {strides = array<i32>} : memref<80x128xf32, #tpu.memory_space<vmem>>, vector<1x16xf32>,
        %get3A_210 = vector.shape_cast %get3A_209 : vector<1x16xf32> to vector<16xf32>
        %mul3A_211 = arith.mulf %get3A_206, %get3A_210 : vector<16xf32>
        %swap3A_212 = arith.index_cast %scan3A_176 : i32 to index
        %swap3A_213 = arith.constant 32 : index
        %swap3A_214 = tpu.vector_load %arg15[%swap3A_212, %swap3A_213] {strides = array<i32>} : memref<80x128xf32, #tpu.memory_space<vmem>>, vector<1x16xf32>,
        %swap3A_215 = vector.shape_cast %swap3A_214 : vector<1x16xf32> to vector<16xf32>
        %swap3A_216 = vector.shape_cast %mul3A_211 : vector<16xf32> to vector<1x16xf32>
        tpu.vector_store %arg15[%swap3A_212, %swap3A_213], %swap3A_216 {strides = array<i32>} : memref<80x128xf32, #tpu.memory_space<vmem>>, vector<1x16xf32>,
        %get3A_217 = arith.index_cast %scan3A_176 : i32 to index
        %get3A_218 = arith.constant 48 : index
        %get3A_219 = tpu.vector_load %arg15[%get3A_217, %get3A_218] {strides = array<i32>} : memref<80x128xf32, #tpu.memory_space<vmem>>, vector<1x16xf32>,
        %get3A_220 = vector.shape_cast %get3A_219 : vector<1x16xf32> to vector<16xf32>
        %get3A_221 = arith.index_cast %scan3A_176 : i32 to index
        %get3A_222 = arith.constant 48 : index
        %get3A_223 = tpu.vector_load %arg13[%get3A_221, %get3A_222] {strides = array<i32>} : memref<80x128xf32, #tpu.memory_space<vmem>>, vector<1x16xf32>,
        %get3A_224 = vector.shape_cast %get3A_223 : vector<1x16xf32> to vector<16xf32>
        %mul3A_225 = arith.mulf %get3A_220, %get3A_224 : vector<16xf32>
        %swap3A_226 = arith.index_cast %scan3A_176 : i32 to index
        %swap3A_227 = arith.constant 48 : index
        %swap3A_228 = tpu.vector_load %arg15[%swap3A_226, %swap3A_227] {strides = array<i32>} : memref<80x128xf32, #tpu.memory_space<vmem>>, vector<1x16xf32>,
        %swap3A_229 = vector.shape_cast %swap3A_228 : vector<1x16xf32> to vector<16xf32>
        %swap3A_230 = vector.shape_cast %mul3A_225 : vector<16xf32> to vector<1x16xf32>
        tpu.vector_store %arg15[%swap3A_226, %swap3A_227], %swap3A_230 {strides = array<i32>} : memref<80x128xf32, #tpu.memory_space<vmem>>, vector<1x16xf32>,
        %get3A_231 = arith.index_cast %scan3A_176 : i32 to index
        %get3A_232 = arith.constant 64 : index
        %get3A_233 = tpu.vector_load %arg15[%get3A_231, %get3A_232] {strides = array<i32>} : memref<80x128xf32, #tpu.memory_space<vmem>>, vector<1x16xf32>,
        %get3A_234 = vector.shape_cast %get3A_233 : vector<1x16xf32> to vector<16xf32>
        %get3A_235 = arith.index_cast %scan3A_176 : i32 to index
        %get3A_236 = arith.constant 64 : index
        %get3A_237 = tpu.vector_load %arg13[%get3A_235, %get3A_236] {strides = array<i32>} : memref<80x128xf32, #tpu.memory_space<vmem>>, vector<1x16xf32>,
        %get3A_238 = vector.shape_cast %get3A_237 : vector<1x16xf32> to vector<16xf32>
        %mul3A_239 = arith.mulf %get3A_234, %get3A_238 : vector<16xf32>
        %swap3A_240 = arith.index_cast %scan3A_176 : i32 to index
        %swap3A_241 = arith.constant 64 : index
        %swap3A_242 = tpu.vector_load %arg15[%swap3A_240, %swap3A_241] {strides = array<i32>} : memref<80x128xf32, #tpu.memory_space<vmem>>, vector<1x16xf32>,
        %swap3A_243 = vector.shape_cast %swap3A_242 : vector<1x16xf32> to vector<16xf32>
        %swap3A_244 = vector.shape_cast %mul3A_239 : vector<16xf32> to vector<1x16xf32>
        tpu.vector_store %arg15[%swap3A_240, %swap3A_241], %swap3A_244 {strides = array<i32>} : memref<80x128xf32, #tpu.memory_space<vmem>>, vector<1x16xf32>,
        %get3A_245 = arith.index_cast %scan3A_176 : i32 to index
        %get3A_246 = arith.constant 80 : index
        %get3A_247 = tpu.vector_load %arg15[%get3A_245, %get3A_246] {strides = array<i32>} : memref<80x128xf32, #tpu.memory_space<vmem>>, vector<1x16xf32>,
        %get3A_248 = vector.shape_cast %get3A_247 : vector<1x16xf32> to vector<16xf32>
        %get3A_249 = arith.index_cast %scan3A_176 : i32 to index
        %get3A_250 = arith.constant 80 : index
        %get3A_251 = tpu.vector_load %arg13[%get3A_249, %get3A_250] {strides = array<i32>} : memref<80x128xf32, #tpu.memory_space<vmem>>, vector<1x16xf32>,
        %get3A_252 = vector.shape_cast %get3A_251 : vector<1x16xf32> to vector<16xf32>
        %mul3A_253 = arith.mulf %get3A_248, %get3A_252 : vector<16xf32>
        %swap3A_254 = arith.index_cast %scan3A_176 : i32 to index
        %swap3A_255 = arith.constant 80 : index
        %swap3A_256 = tpu.vector_load %arg15[%swap3A_254, %swap3A_255] {strides = array<i32>} : memref<80x128xf32, #tpu.memory_space<vmem>>, vector<1x16xf32>,
        %swap3A_257 = vector.shape_cast %swap3A_256 : vector<1x16xf32> to vector<16xf32>
        %swap3A_258 = vector.shape_cast %mul3A_253 : vector<16xf32> to vector<1x16xf32>
        tpu.vector_store %arg15[%swap3A_254, %swap3A_255], %swap3A_258 {strides = array<i32>} : memref<80x128xf32, #tpu.memory_space<vmem>>, vector<1x16xf32>,
        %get3A_259 = arith.index_cast %scan3A_176 : i32 to index
        %get3A_260 = arith.constant 96 : index
        %get3A_261 = tpu.vector_load %arg15[%get3A_259, %get3A_260] {strides = array<i32>} : memref<80x128xf32, #tpu.memory_space<vmem>>, vector<1x16xf32>,
        %get3A_262 = vector.shape_cast %get3A_261 : vector<1x16xf32> to vector<16xf32>
        %get3A_263 = arith.index_cast %scan3A_176 : i32 to index
        %get3A_264 = arith.constant 96 : index
        %get3A_265 = tpu.vector_load %arg13[%get3A_263, %get3A_264] {strides = array<i32>} : memref<80x128xf32, #tpu.memory_space<vmem>>, vector<1x16xf32>,
        %get3A_266 = vector.shape_cast %get3A_265 : vector<1x16xf32> to vector<16xf32>
        %mul3A_267 = arith.mulf %get3A_262, %get3A_266 : vector<16xf32>
        %swap3A_268 = arith.index_cast %scan3A_176 : i32 to index
        %swap3A_269 = arith.constant 96 : index
        %swap3A_270 = tpu.vector_load %arg15[%swap3A_268, %swap3A_269] {strides = array<i32>} : memref<80x128xf32, #tpu.memory_space<vmem>>, vector<1x16xf32>,
        %swap3A_271 = vector.shape_cast %swap3A_270 : vector<1x16xf32> to vector<16xf32>
        %swap3A_272 = vector.shape_cast %mul3A_267 : vector<16xf32> to vector<1x16xf32>
        tpu.vector_store %arg15[%swap3A_268, %swap3A_269], %swap3A_272 {strides = array<i32>} : memref<80x128xf32, #tpu.memory_space<vmem>>, vector<1x16xf32>,
        %get3A_273 = arith.index_cast %scan3A_176 : i32 to index
        %get3A_274 = arith.constant 112 : index
        %get3A_275 = tpu.vector_load %arg15[%get3A_273, %get3A_274] {strides = array<i32>} : memref<80x128xf32, #tpu.memory_space<vmem>>, vector<1x16xf32>,
        %get3A_276 = vector.shape_cast %get3A_275 : vector<1x16xf32> to vector<16xf32>
        %get3A_277 = arith.index_cast %scan3A_176 : i32 to index
        %get3A_278 = arith.constant 112 : index
        %get3A_279 = tpu.vector_load %arg13[%get3A_277, %get3A_278] {strides = array<i32>} : memref<80x128xf32, #tpu.memory_space<vmem>>, vector<1x16xf32>,
        %get3A_280 = vector.shape_cast %get3A_279 : vector<1x16xf32> to vector<16xf32>
        %mul3A_281 = arith.mulf %get3A_276, %get3A_280 : vector<16xf32>
        %swap3A_282 = arith.index_cast %scan3A_176 : i32 to index
        %swap3A_283 = arith.constant 112 : index
        %swap3A_284 = tpu.vector_load %arg15[%swap3A_282, %swap3A_283] {strides = array<i32>} : memref<80x128xf32, #tpu.memory_space<vmem>>, vector<1x16xf32>,
        %swap3A_285 = vector.shape_cast %swap3A_284 : vector<1x16xf32> to vector<16xf32>
        %swap3A_286 = vector.shape_cast %mul3A_281 : vector<16xf32> to vector<1x16xf32>
        tpu.vector_store %arg15[%swap3A_282, %swap3A_283], %swap3A_286 {strides = array<i32>} : memref<80x128xf32, #tpu.memory_space<vmem>>, vector<1x16xf32>,
      }
      %scan3A_136 = arith.constant 80 : i32
      %dma_start3A_137 = arith.constant 0 : i32
      %dma_start3A_138 = arith.constant 0 : i32
      %dma_start3A_139 = tpu.memref_slice %arg8[%dma_start3A_137, %dma_start3A_138] : memref<10000x128xf32, #tpu.memory_space<vmem_shared>> -> memref<10000x128xf32, #tpu.memory_space<vmem_shared>>
      tpu.enqueue_indirect_dma source(%arg15 : memref<80x128xf32, #tpu.memory_space<vmem>>) target(%dma_start3A_139 : memref<10000x128xf32, #tpu.memory_space<vmem_shared>>) offsets(%arg11 : memref<80xi32, #tpu.memory_space<vmem>>) semaphore(%arg19 : memref<!tpu.dma_semaphore, #tpu.memory_space<semaphore_mem>>) {add = true}
      %dma_wait3A_140 = arith.constant 0 : i32
      %dma_wait3A_141 = arith.constant 0 : i32
      %dma_wait3A_142 = tpu.memref_slice %arg2[%dma_wait3A_140, %dma_wait3A_141] : memref<10000x128xf32, #tpu.memory_space<hbm>> -> memref<10000x128xf32, #tpu.memory_space<hbm>>
      tpu.wait_indirect_dma semaphore(%arg17 : memref<!tpu.dma_semaphore, #tpu.memory_space<semaphore_mem>>) src(%dma_wait3A_142 : memref<10000x128xf32, #tpu.memory_space<hbm>>) dst(%arg14 : memref<80x128xf32, #tpu.memory_space<vmem>>)
      %dma_wait3A_143 = arith.constant 0 : i32
      %dma_wait3A_144 = tpu.memref_slice %arg4[%dma_wait3A_143, %mul3A_2] : memref<160000x256xf32, #tpu.memory_space<hbm>> -> memref<80x128xf32, #tpu.memory_space<hbm>>
      %dma_wait3A_145 = arith.constant 0 : i32
      %dma_wait3A_146 = tpu.memref_slice %arg4[%dma_wait3A_145, %mul3A_2] : memref<160000x256xf32, #tpu.memory_space<hbm>> -> memref<80x128xf32, #tpu.memory_space<hbm>>
      tpu.wait_dma2 semaphore(%arg18 : memref<!tpu.dma_semaphore, #tpu.memory_space<semaphore_mem>>) src(%dma_wait3A_146 : memref<80x128xf32, #tpu.memory_space<hbm>>) dst(%arg16 : memref<80x128xf32, #tpu.memory_space<vmem>>)
      %scan3A_147 = arith.constant 0 : i32
      %scan3A_148 = arith.constant 0 : i32
      %scan3A_149 = arith.constant 80 : i32
      %scan3A_150 = arith.addi %scan3A_148, %scan3A_149 : i32
      %scan3A_151 = arith.constant 1 : i32
      scf.for %scan3A_176 = %scan3A_148 to %scan3A_150 step %scan3A_151  : i32 {
        %get3A = arith.index_cast %scan3A_176 : i32 to index
        %get3A_177 = arith.constant 0 : index
        %get3A_178 = tpu.vector_load %arg16[%get3A, %get3A_177] {strides = array<i32>} : memref<80x128xf32, #tpu.memory_space<vmem>>, vector<1x16xf32>,
        %get3A_179 = vector.shape_cast %get3A_178 : vector<1x16xf32> to vector<16xf32>
        %get3A_180 = arith.index_cast %scan3A_176 : i32 to index
        %get3A_181 = arith.constant 0 : index
        %get3A_182 = tpu.vector_load %arg14[%get3A_180, %get3A_181] {strides = array<i32>} : memref<80x128xf32, #tpu.memory_space<vmem>>, vector<1x16xf32>,
        %get3A_183 = vector.shape_cast %get3A_182 : vector<1x16xf32> to vector<16xf32>
        %mul3A_184 = arith.mulf %get3A_179, %get3A_183 : vector<16xf32>
        %swap3A = arith.index_cast %scan3A_176 : i32 to index
        %swap3A_185 = arith.constant 0 : index
        %swap3A_186 = tpu.vector_load %arg16[%swap3A, %swap3A_185] {strides = array<i32>} : memref<80x128xf32, #tpu.memory_space<vmem>>, vector<1x16xf32>,
        %swap3A_187 = vector.shape_cast %swap3A_186 : vector<1x16xf32> to vector<16xf32>
        %swap3A_188 = vector.shape_cast %mul3A_184 : vector<16xf32> to vector<1x16xf32>
        tpu.vector_store %arg16[%swap3A, %swap3A_185], %swap3A_188 {strides = array<i32>} : memref<80x128xf32, #tpu.memory_space<vmem>>, vector<1x16xf32>,
        %get3A_189 = arith.index_cast %scan3A_176 : i32 to index
        %get3A_190 = arith.constant 16 : index
        %get3A_191 = tpu.vector_load %arg16[%get3A_189, %get3A_190] {strides = array<i32>} : memref<80x128xf32, #tpu.memory_space<vmem>>, vector<1x16xf32>,
        %get3A_192 = vector.shape_cast %get3A_191 : vector<1x16xf32> to vector<16xf32>
        %get3A_193 = arith.index_cast %scan3A_176 : i32 to index
        %get3A_194 = arith.constant 16 : index
        %get3A_195 = tpu.vector_load %arg14[%get3A_193, %get3A_194] {strides = array<i32>} : memref<80x128xf32, #tpu.memory_space<vmem>>, vector<1x16xf32>,
        %get3A_196 = vector.shape_cast %get3A_195 : vector<1x16xf32> to vector<16xf32>
        %mul3A_197 = arith.mulf %get3A_192, %get3A_196 : vector<16xf32>
        %swap3A_198 = arith.index_cast %scan3A_176 : i32 to index
        %swap3A_199 = arith.constant 16 : index
        %swap3A_200 = tpu.vector_load %arg16[%swap3A_198, %swap3A_199] {strides = array<i32>} : memref<80x128xf32, #tpu.memory_space<vmem>>, vector<1x16xf32>,
        %swap3A_201 = vector.shape_cast %swap3A_200 : vector<1x16xf32> to vector<16xf32>
        %swap3A_202 = vector.shape_cast %mul3A_197 : vector<16xf32> to vector<1x16xf32>
        tpu.vector_store %arg16[%swap3A_198, %swap3A_199], %swap3A_202 {strides = array<i32>} : memref<80x128xf32, #tpu.memory_space<vmem>>, vector<1x16xf32>,
        %get3A_203 = arith.index_cast %scan3A_176 : i32 to index
        %get3A_204 = arith.constant 32 : index
        %get3A_205 = tpu.vector_load %arg16[%get3A_203, %get3A_204] {strides = array<i32>} : memref<80x128xf32, #tpu.memory_space<vmem>>, vector<1x16xf32>,
        %get3A_206 = vector.shape_cast %get3A_205 : vector<1x16xf32> to vector<16xf32>
        %get3A_207 = arith.index_cast %scan3A_176 : i32 to index
        %get3A_208 = arith.constant 32 : index
        %get3A_209 = tpu.vector_load %arg14[%get3A_207, %get3A_208] {strides = array<i32>} : memref<80x128xf32, #tpu.memory_space<vmem>>, vector<1x16xf32>,
        %get3A_210 = vector.shape_cast %get3A_209 : vector<1x16xf32> to vector<16xf32>
        %mul3A_211 = arith.mulf %get3A_206, %get3A_210 : vector<16xf32>
        %swap3A_212 = arith.index_cast %scan3A_176 : i32 to index
        %swap3A_213 = arith.constant 32 : index
        %swap3A_214 = tpu.vector_load %arg16[%swap3A_212, %swap3A_213] {strides = array<i32>} : memref<80x128xf32, #tpu.memory_space<vmem>>, vector<1x16xf32>,
        %swap3A_215 = vector.shape_cast %swap3A_214 : vector<1x16xf32> to vector<16xf32>
        %swap3A_216 = vector.shape_cast %mul3A_211 : vector<16xf32> to vector<1x16xf32>
        tpu.vector_store %arg16[%swap3A_212, %swap3A_213], %swap3A_216 {strides = array<i32>} : memref<80x128xf32, #tpu.memory_space<vmem>>, vector<1x16xf32>,
        %get3A_217 = arith.index_cast %scan3A_176 : i32 to index
        %get3A_218 = arith.constant 48 : index
        %get3A_219 = tpu.vector_load %arg16[%get3A_217, %get3A_218] {strides = array<i32>} : memref<80x128xf32, #tpu.memory_space<vmem>>, vector<1x16xf32>,
        %get3A_220 = vector.shape_cast %get3A_219 : vector<1x16xf32> to vector<16xf32>
        %get3A_221 = arith.index_cast %scan3A_176 : i32 to index
        %get3A_222 = arith.constant 48 : index
        %get3A_223 = tpu.vector_load %arg14[%get3A_221, %get3A_222] {strides = array<i32>} : memref<80x128xf32, #tpu.memory_space<vmem>>, vector<1x16xf32>,
        %get3A_224 = vector.shape_cast %get3A_223 : vector<1x16xf32> to vector<16xf32>
        %mul3A_225 = arith.mulf %get3A_220, %get3A_224 : vector<16xf32>
        %swap3A_226 = arith.index_cast %scan3A_176 : i32 to index
        %swap3A_227 = arith.constant 48 : index
        %swap3A_228 = tpu.vector_load %arg16[%swap3A_226, %swap3A_227] {strides = array<i32>} : memref<80x128xf32, #tpu.memory_space<vmem>>, vector<1x16xf32>,
        %swap3A_229 = vector.shape_cast %swap3A_228 : vector<1x16xf32> to vector<16xf32>
        %swap3A_230 = vector.shape_cast %mul3A_225 : vector<16xf32> to vector<1x16xf32>
        tpu.vector_store %arg16[%swap3A_226, %swap3A_227], %swap3A_230 {strides = array<i32>} : memref<80x128xf32, #tpu.memory_space<vmem>>, vector<1x16xf32>,
        %get3A_231 = arith.index_cast %scan3A_176 : i32 to index
        %get3A_232 = arith.constant 64 : index
        %get3A_233 = tpu.vector_load %arg16[%get3A_231, %get3A_232] {strides = array<i32>} : memref<80x128xf32, #tpu.memory_space<vmem>>, vector<1x16xf32>,
        %get3A_234 = vector.shape_cast %get3A_233 : vector<1x16xf32> to vector<16xf32>
        %get3A_235 = arith.index_cast %scan3A_176 : i32 to index
        %get3A_236 = arith.constant 64 : index
        %get3A_237 = tpu.vector_load %arg14[%get3A_235, %get3A_236] {strides = array<i32>} : memref<80x128xf32, #tpu.memory_space<vmem>>, vector<1x16xf32>,
        %get3A_238 = vector.shape_cast %get3A_237 : vector<1x16xf32> to vector<16xf32>
        %mul3A_239 = arith.mulf %get3A_234, %get3A_238 : vector<16xf32>
        %swap3A_240 = arith.index_cast %scan3A_176 : i32 to index
        %swap3A_241 = arith.constant 64 : index
        %swap3A_242 = tpu.vector_load %arg16[%swap3A_240, %swap3A_241] {strides = array<i32>} : memref<80x128xf32, #tpu.memory_space<vmem>>, vector<1x16xf32>,
        %swap3A_243 = vector.shape_cast %swap3A_242 : vector<1x16xf32> to vector<16xf32>
        %swap3A_244 = vector.shape_cast %mul3A_239 : vector<16xf32> to vector<1x16xf32>
        tpu.vector_store %arg16[%swap3A_240, %swap3A_241], %swap3A_244 {strides = array<i32>} : memref<80x128xf32, #tpu.memory_space<vmem>>, vector<1x16xf32>,
        %get3A_245 = arith.index_cast %scan3A_176 : i32 to index
        %get3A_246 = arith.constant 80 : index
        %get3A_247 = tpu.vector_load %arg16[%get3A_245, %get3A_246] {strides = array<i32>} : memref<80x128xf32, #tpu.memory_space<vmem>>, vector<1x16xf32>,
        %get3A_248 = vector.shape_cast %get3A_247 : vector<1x16xf32> to vector<16xf32>
        %get3A_249 = arith.index_cast %scan3A_176 : i32 to index
        %get3A_250 = arith.constant 80 : index
        %get3A_251 = tpu.vector_load %arg14[%get3A_249, %get3A_250] {strides = array<i32>} : memref<80x128xf32, #tpu.memory_space<vmem>>, vector<1x16xf32>,
        %get3A_252 = vector.shape_cast %get3A_251 : vector<1x16xf32> to vector<16xf32>
        %mul3A_253 = arith.mulf %get3A_248, %get3A_252 : vector<16xf32>
        %swap3A_254 = arith.index_cast %scan3A_176 : i32 to index
        %swap3A_255 = arith.constant 80 : index
        %swap3A_256 = tpu.vector_load %arg16[%swap3A_254, %swap3A_255] {strides = array<i32>} : memref<80x128xf32, #tpu.memory_space<vmem>>, vector<1x16xf32>,
        %swap3A_257 = vector.shape_cast %swap3A_256 : vector<1x16xf32> to vector<16xf32>
        %swap3A_258 = vector.shape_cast %mul3A_253 : vector<16xf32> to vector<1x16xf32>
        tpu.vector_store %arg16[%swap3A_254, %swap3A_255], %swap3A_258 {strides = array<i32>} : memref<80x128xf32, #tpu.memory_space<vmem>>, vector<1x16xf32>,
        %get3A_259 = arith.index_cast %scan3A_176 : i32 to index
        %get3A_260 = arith.constant 96 : index
        %get3A_261 = tpu.vector_load %arg16[%get3A_259, %get3A_260] {strides = array<i32>} : memref<80x128xf32, #tpu.memory_space<vmem>>, vector<1x16xf32>,
        %get3A_262 = vector.shape_cast %get3A_261 : vector<1x16xf32> to vector<16xf32>
        %get3A_263 = arith.index_cast %scan3A_176 : i32 to index
        %get3A_264 = arith.constant 96 : index
        %get3A_265 = tpu.vector_load %arg14[%get3A_263, %get3A_264] {strides = array<i32>} : memref<80x128xf32, #tpu.memory_space<vmem>>, vector<1x16xf32>,
        %get3A_266 = vector.shape_cast %get3A_265 : vector<1x16xf32> to vector<16xf32>
        %mul3A_267 = arith.mulf %get3A_262, %get3A_266 : vector<16xf32>
        %swap3A_268 = arith.index_cast %scan3A_176 : i32 to index
        %swap3A_269 = arith.constant 96 : index
        %swap3A_270 = tpu.vector_load %arg16[%swap3A_268, %swap3A_269] {strides = array<i32>} : memref<80x128xf32, #tpu.memory_space<vmem>>, vector<1x16xf32>,
        %swap3A_271 = vector.shape_cast %swap3A_270 : vector<1x16xf32> to vector<16xf32>
        %swap3A_272 = vector.shape_cast %mul3A_267 : vector<16xf32> to vector<1x16xf32>
        tpu.vector_store %arg16[%swap3A_268, %swap3A_269], %swap3A_272 {strides = array<i32>} : memref<80x128xf32, #tpu.memory_space<vmem>>, vector<1x16xf32>,
        %get3A_273 = arith.index_cast %scan3A_176 : i32 to index
        %get3A_274 = arith.constant 112 : index
        %get3A_275 = tpu.vector_load %arg16[%get3A_273, %get3A_274] {strides = array<i32>} : memref<80x128xf32, #tpu.memory_space<vmem>>, vector<1x16xf32>,
        %get3A_276 = vector.shape_cast %get3A_275 : vector<1x16xf32> to vector<16xf32>
        %get3A_277 = arith.index_cast %scan3A_176 : i32 to index
        %get3A_278 = arith.constant 112 : index
        %get3A_279 = tpu.vector_load %arg14[%get3A_277, %get3A_278] {strides = array<i32>} : memref<80x128xf32, #tpu.memory_space<vmem>>, vector<1x16xf32>,
        %get3A_280 = vector.shape_cast %get3A_279 : vector<1x16xf32> to vector<16xf32>
        %mul3A_281 = arith.mulf %get3A_276, %get3A_280 : vector<16xf32>
        %swap3A_282 = arith.index_cast %scan3A_176 : i32 to index
        %swap3A_283 = arith.constant 112 : index
        %swap3A_284 = tpu.vector_load %arg16[%swap3A_282, %swap3A_283] {strides = array<i32>} : memref<80x128xf32, #tpu.memory_space<vmem>>, vector<1x16xf32>,
        %swap3A_285 = vector.shape_cast %swap3A_284 : vector<1x16xf32> to vector<16xf32>
        %swap3A_286 = vector.shape_cast %mul3A_281 : vector<16xf32> to vector<1x16xf32>
        tpu.vector_store %arg16[%swap3A_282, %swap3A_283], %swap3A_286 {strides = array<i32>} : memref<80x128xf32, #tpu.memory_space<vmem>>, vector<1x16xf32>,
      }
      %scan3A_152 = arith.constant 80 : i32
      %dma_wait3A_153 = arith.constant 0 : i32
      %dma_wait3A_154 = arith.constant 0 : i32
      %dma_wait3A_155 = tpu.memref_slice %arg8[%dma_wait3A_153, %dma_wait3A_154] : memref<10000x128xf32, #tpu.memory_space<vmem_shared>> -> memref<10000x128xf32, #tpu.memory_space<vmem_shared>>
      tpu.wait_indirect_dma semaphore(%arg19 : memref<!tpu.dma_semaphore, #tpu.memory_space<semaphore_mem>>) src(%arg15 : memref<80x128xf32, #tpu.memory_space<vmem>>) dst(%dma_wait3A_155 : memref<10000x128xf32, #tpu.memory_space<vmem_shared>>)
      %add3A_156 = arith.constant 2 : i32
      %add3A_157 = arith.addi %mul3A_102, %add3A_156 : i32
      %mul3A_158 = arith.constant 80 : i32
      %mul3A_159 = arith.muli %add3A_157, %mul3A_158 : i32
      %add3A_160 = arith.addi %mul3A_48, %mul3A_159 : i32
      "tpu.region"() ({
        %run_scoped3A = tpu.sem_alloc : memref<!tpu.dma_semaphore, #tpu.memory_space<semaphore_mem>>
        %dma_start3A_176 = tpu.memref_slice %arg6[%add3A_160] : memref<160000xi32, #tpu.memory_space<hbm>> -> memref<80xi32, #tpu.memory_space<hbm>>
        %dma_start3A_177 = tpu.memref_slice %arg6[%add3A_160] : memref<160000xi32, #tpu.memory_space<hbm>> -> memref<80xi32, #tpu.memory_space<hbm>>
        tpu.enqueue_dma source(%dma_start3A_177 : memref<80xi32, #tpu.memory_space<hbm>>) target(%arg9 : memref<80xi32, #tpu.memory_space<vmem>>) target_semaphore(%run_scoped3A : memref<!tpu.dma_semaphore, #tpu.memory_space<semaphore_mem>>)
        %dma_wait3A_178 = tpu.memref_slice %arg6[%add3A_160] : memref<160000xi32, #tpu.memory_space<hbm>> -> memref<80xi32, #tpu.memory_space<hbm>>
        %dma_wait3A_179 = tpu.memref_slice %arg6[%add3A_160] : memref<160000xi32, #tpu.memory_space<hbm>> -> memref<80xi32, #tpu.memory_space<hbm>>
        tpu.wait_dma2 semaphore(%run_scoped3A : memref<!tpu.dma_semaphore, #tpu.memory_space<semaphore_mem>>) src(%dma_wait3A_179 : memref<80xi32, #tpu.memory_space<hbm>>) dst(%arg9 : memref<80xi32, #tpu.memory_space<vmem>>)
        tpu.yield
      }) : () -> ()
      "tpu.region"() ({
        %run_scoped3A = tpu.sem_alloc : memref<!tpu.dma_semaphore, #tpu.memory_space<semaphore_mem>>
        %dma_start3A_176 = tpu.memref_slice %arg5[%add3A_160] : memref<160000xi32, #tpu.memory_space<hbm>> -> memref<80xi32, #tpu.memory_space<hbm>>
        %dma_start3A_177 = tpu.memref_slice %arg5[%add3A_160] : memref<160000xi32, #tpu.memory_space<hbm>> -> memref<80xi32, #tpu.memory_space<hbm>>
        tpu.enqueue_dma source(%dma_start3A_177 : memref<80xi32, #tpu.memory_space<hbm>>) target(%arg11 : memref<80xi32, #tpu.memory_space<vmem>>) target_semaphore(%run_scoped3A : memref<!tpu.dma_semaphore, #tpu.memory_space<semaphore_mem>>)
        %dma_wait3A_178 = tpu.memref_slice %arg5[%add3A_160] : memref<160000xi32, #tpu.memory_space<hbm>> -> memref<80xi32, #tpu.memory_space<hbm>>
        %dma_wait3A_179 = tpu.memref_slice %arg5[%add3A_160] : memref<160000xi32, #tpu.memory_space<hbm>> -> memref<80xi32, #tpu.memory_space<hbm>>
        tpu.wait_dma2 semaphore(%run_scoped3A : memref<!tpu.dma_semaphore, #tpu.memory_space<semaphore_mem>>) src(%dma_wait3A_179 : memref<80xi32, #tpu.memory_space<hbm>>) dst(%arg11 : memref<80xi32, #tpu.memory_space<vmem>>)
        tpu.yield
      }) : () -> ()
      %eq3A_161 = arith.constant 0 : i32
      %eq3A_162 = arith.cmpi eq, %arg0, %eq3A_161 : i32
      %convert_element_type3A_163 = arith.extui %eq3A_162 : i1 to i32
      %cond3A_164 = arith.constant 0 : i32
      %cond3A_165 = arith.cmpi ne, %convert_element_type3A_163, %cond3A_164 : i32
      scf.if %cond3A_165 {
        %dma_start3A_176 = arith.constant 0 : i32
        %dma_start3A_177 = arith.constant 0 : i32
        %dma_start3A_178 = tpu.memref_slice %arg2[%dma_start3A_176, %dma_start3A_177] : memref<10000x128xf32, #tpu.memory_space<hbm>> -> memref<10000x128xf32, #tpu.memory_space<hbm>>
        tpu.enqueue_indirect_dma source(%dma_start3A_178 : memref<10000x128xf32, #tpu.memory_space<hbm>>) target(%arg13 : memref<80x128xf32, #tpu.memory_space<vmem>>) offsets(%arg9 : memref<80xi32, #tpu.memory_space<vmem>>) semaphore(%arg17 : memref<!tpu.dma_semaphore, #tpu.memory_space<semaphore_mem>>)
      } else {
      }
      %eq3A_166 = arith.constant 1 : i32
      %eq3A_167 = arith.cmpi eq, %arg0, %eq3A_166 : i32
      %convert_element_type3A_168 = arith.extui %eq3A_167 : i1 to i32
      %cond3A_169 = arith.constant 0 : i32
      %cond3A_170 = arith.cmpi ne, %convert_element_type3A_168, %cond3A_169 : i32
      scf.if %cond3A_170 {
        %dma_start3A_176 = arith.constant 0 : i32
        %dma_start3A_177 = arith.constant 0 : i32
        %dma_start3A_178 = tpu.memref_slice %arg3[%dma_start3A_176, %dma_start3A_177] : memref<10000x128xf32, #tpu.memory_space<hbm>> -> memref<10000x128xf32, #tpu.memory_space<hbm>>
        tpu.enqueue_indirect_dma source(%dma_start3A_178 : memref<10000x128xf32, #tpu.memory_space<hbm>>) target(%arg13 : memref<80x128xf32, #tpu.memory_space<vmem>>) offsets(%arg9 : memref<80xi32, #tpu.memory_space<vmem>>) semaphore(%arg17 : memref<!tpu.dma_semaphore, #tpu.memory_space<semaphore_mem>>)
      } else {
      }
      %dma_start3A_171 = tpu.memref_slice %arg4[%add3A_160, %mul3A_2] : memref<160000x256xf32, #tpu.memory_space<hbm>> -> memref<80x128xf32, #tpu.memory_space<hbm>>
      %dma_start3A_172 = tpu.memref_slice %arg4[%add3A_160, %mul3A_2] : memref<160000x256xf32, #tpu.memory_space<hbm>> -> memref<80x128xf32, #tpu.memory_space<hbm>>
      tpu.enqueue_dma source(%dma_start3A_172 : memref<80x128xf32, #tpu.memory_space<hbm>>) target(%arg15 : memref<80x128xf32, #tpu.memory_space<vmem>>) target_semaphore(%arg18 : memref<!tpu.dma_semaphore, #tpu.memory_space<semaphore_mem>>)
      %dma_start3A_173 = arith.constant 0 : i32
      %dma_start3A_174 = arith.constant 0 : i32
      %dma_start3A_175 = tpu.memref_slice %arg8[%dma_start3A_173, %dma_start3A_174] : memref<10000x128xf32, #tpu.memory_space<vmem_shared>> -> memref<10000x128xf32, #tpu.memory_space<vmem_shared>>
      tpu.enqueue_indirect_dma source(%arg16 : memref<80x128xf32, #tpu.memory_space<vmem>>) target(%dma_start3A_175 : memref<10000x128xf32, #tpu.memory_space<vmem_shared>>) offsets(%arg12 : memref<80xi32, #tpu.memory_space<vmem>>) semaphore(%arg19 : memref<!tpu.dma_semaphore, #tpu.memory_space<semaphore_mem>>) {add = true}
    }
    %scan3A_65 = arith.constant 62 : i32
    %dma_wait3A = arith.constant 0 : i32
    %dma_wait3A_66 = arith.constant 0 : i32
    %dma_wait3A_67 = tpu.memref_slice %arg2[%dma_wait3A, %dma_wait3A_66] : memref<10000x128xf32, #tpu.memory_space<hbm>> -> memref<10000x128xf32, #tpu.memory_space<hbm>>
    tpu.wait_indirect_dma semaphore(%arg17 : memref<!tpu.dma_semaphore, #tpu.memory_space<semaphore_mem>>) src(%dma_wait3A_67 : memref<10000x128xf32, #tpu.memory_space<hbm>>) dst(%arg13 : memref<80x128xf32, #tpu.memory_space<vmem>>)
    %dma_wait3A_68 = arith.constant 0 : i32
    %dma_wait3A_69 = tpu.memref_slice %arg4[%dma_wait3A_68, %mul3A_2] : memref<160000x256xf32, #tpu.memory_space<hbm>> -> memref<80x128xf32, #tpu.memory_space<hbm>>
    %dma_wait3A_70 = arith.constant 0 : i32
    %dma_wait3A_71 = tpu.memref_slice %arg4[%dma_wait3A_70, %mul3A_2] : memref<160000x256xf32, #tpu.memory_space<hbm>> -> memref<80x128xf32, #tpu.memory_space<hbm>>
    tpu.wait_dma2 semaphore(%arg18 : memref<!tpu.dma_semaphore, #tpu.memory_space<semaphore_mem>>) src(%dma_wait3A_71 : memref<80x128xf32, #tpu.memory_space<hbm>>) dst(%arg15 : memref<80x128xf32, #tpu.memory_space<vmem>>)
    %scan3A_72 = arith.constant 0 : i32
    %scan3A_73 = arith.constant 0 : i32
    %scan3A_74 = arith.constant 80 : i32
    %scan3A_75 = arith.addi %scan3A_73, %scan3A_74 : i32
    %scan3A_76 = arith.constant 1 : i32
    scf.for %scan3A_100 = %scan3A_73 to %scan3A_75 step %scan3A_76  : i32 {
      %get3A = arith.index_cast %scan3A_100 : i32 to index
      %get3A_101 = arith.constant 0 : index
      %get3A_102 = tpu.vector_load %arg15[%get3A, %get3A_101] {strides = array<i32>} : memref<80x128xf32, #tpu.memory_space<vmem>>, vector<1x16xf32>,
      %get3A_103 = vector.shape_cast %get3A_102 : vector<1x16xf32> to vector<16xf32>
      %get3A_104 = arith.index_cast %scan3A_100 : i32 to index
      %get3A_105 = arith.constant 0 : index
      %get3A_106 = tpu.vector_load %arg13[%get3A_104, %get3A_105] {strides = array<i32>} : memref<80x128xf32, #tpu.memory_space<vmem>>, vector<1x16xf32>,
      %get3A_107 = vector.shape_cast %get3A_106 : vector<1x16xf32> to vector<16xf32>
      %mul3A_108 = arith.mulf %get3A_103, %get3A_107 : vector<16xf32>
      %swap3A = arith.index_cast %scan3A_100 : i32 to index
      %swap3A_109 = arith.constant 0 : index
      %swap3A_110 = tpu.vector_load %arg15[%swap3A, %swap3A_109] {strides = array<i32>} : memref<80x128xf32, #tpu.memory_space<vmem>>, vector<1x16xf32>,
      %swap3A_111 = vector.shape_cast %swap3A_110 : vector<1x16xf32> to vector<16xf32>
      %swap3A_112 = vector.shape_cast %mul3A_108 : vector<16xf32> to vector<1x16xf32>
      tpu.vector_store %arg15[%swap3A, %swap3A_109], %swap3A_112 {strides = array<i32>} : memref<80x128xf32, #tpu.memory_space<vmem>>, vector<1x16xf32>,
      %get3A_113 = arith.index_cast %scan3A_100 : i32 to index
      %get3A_114 = arith.constant 16 : index
      %get3A_115 = tpu.vector_load %arg15[%get3A_113, %get3A_114] {strides = array<i32>} : memref<80x128xf32, #tpu.memory_space<vmem>>, vector<1x16xf32>,
      %get3A_116 = vector.shape_cast %get3A_115 : vector<1x16xf32> to vector<16xf32>
      %get3A_117 = arith.index_cast %scan3A_100 : i32 to index
      %get3A_118 = arith.constant 16 : index
      %get3A_119 = tpu.vector_load %arg13[%get3A_117, %get3A_118] {strides = array<i32>} : memref<80x128xf32, #tpu.memory_space<vmem>>, vector<1x16xf32>,
      %get3A_120 = vector.shape_cast %get3A_119 : vector<1x16xf32> to vector<16xf32>
      %mul3A_121 = arith.mulf %get3A_116, %get3A_120 : vector<16xf32>
      %swap3A_122 = arith.index_cast %scan3A_100 : i32 to index
      %swap3A_123 = arith.constant 16 : index
      %swap3A_124 = tpu.vector_load %arg15[%swap3A_122, %swap3A_123] {strides = array<i32>} : memref<80x128xf32, #tpu.memory_space<vmem>>, vector<1x16xf32>,
      %swap3A_125 = vector.shape_cast %swap3A_124 : vector<1x16xf32> to vector<16xf32>
      %swap3A_126 = vector.shape_cast %mul3A_121 : vector<16xf32> to vector<1x16xf32>
      tpu.vector_store %arg15[%swap3A_122, %swap3A_123], %swap3A_126 {strides = array<i32>} : memref<80x128xf32, #tpu.memory_space<vmem>>, vector<1x16xf32>,
      %get3A_127 = arith.index_cast %scan3A_100 : i32 to index
      %get3A_128 = arith.constant 32 : index
      %get3A_129 = tpu.vector_load %arg15[%get3A_127, %get3A_128] {strides = array<i32>} : memref<80x128xf32, #tpu.memory_space<vmem>>, vector<1x16xf32>,
      %get3A_130 = vector.shape_cast %get3A_129 : vector<1x16xf32> to vector<16xf32>
      %get3A_131 = arith.index_cast %scan3A_100 : i32 to index
      %get3A_132 = arith.constant 32 : index
      %get3A_133 = tpu.vector_load %arg13[%get3A_131, %get3A_132] {strides = array<i32>} : memref<80x128xf32, #tpu.memory_space<vmem>>, vector<1x16xf32>,
      %get3A_134 = vector.shape_cast %get3A_133 : vector<1x16xf32> to vector<16xf32>
      %mul3A_135 = arith.mulf %get3A_130, %get3A_134 : vector<16xf32>
      %swap3A_136 = arith.index_cast %scan3A_100 : i32 to index
      %swap3A_137 = arith.constant 32 : index
      %swap3A_138 = tpu.vector_load %arg15[%swap3A_136, %swap3A_137] {strides = array<i32>} : memref<80x128xf32, #tpu.memory_space<vmem>>, vector<1x16xf32>,
      %swap3A_139 = vector.shape_cast %swap3A_138 : vector<1x16xf32> to vector<16xf32>
      %swap3A_140 = vector.shape_cast %mul3A_135 : vector<16xf32> to vector<1x16xf32>
      tpu.vector_store %arg15[%swap3A_136, %swap3A_137], %swap3A_140 {strides = array<i32>} : memref<80x128xf32, #tpu.memory_space<vmem>>, vector<1x16xf32>,
      %get3A_141 = arith.index_cast %scan3A_100 : i32 to index
      %get3A_142 = arith.constant 48 : index
      %get3A_143 = tpu.vector_load %arg15[%get3A_141, %get3A_142] {strides = array<i32>} : memref<80x128xf32, #tpu.memory_space<vmem>>, vector<1x16xf32>,
      %get3A_144 = vector.shape_cast %get3A_143 : vector<1x16xf32> to vector<16xf32>
      %get3A_145 = arith.index_cast %scan3A_100 : i32 to index
      %get3A_146 = arith.constant 48 : index
      %get3A_147 = tpu.vector_load %arg13[%get3A_145, %get3A_146] {strides = array<i32>} : memref<80x128xf32, #tpu.memory_space<vmem>>, vector<1x16xf32>,
      %get3A_148 = vector.shape_cast %get3A_147 : vector<1x16xf32> to vector<16xf32>
      %mul3A_149 = arith.mulf %get3A_144, %get3A_148 : vector<16xf32>
      %swap3A_150 = arith.index_cast %scan3A_100 : i32 to index
      %swap3A_151 = arith.constant 48 : index
      %swap3A_152 = tpu.vector_load %arg15[%swap3A_150, %swap3A_151] {strides = array<i32>} : memref<80x128xf32, #tpu.memory_space<vmem>>, vector<1x16xf32>,
      %swap3A_153 = vector.shape_cast %swap3A_152 : vector<1x16xf32> to vector<16xf32>
      %swap3A_154 = vector.shape_cast %mul3A_149 : vector<16xf32> to vector<1x16xf32>
      tpu.vector_store %arg15[%swap3A_150, %swap3A_151], %swap3A_154 {strides = array<i32>} : memref<80x128xf32, #tpu.memory_space<vmem>>, vector<1x16xf32>,
      %get3A_155 = arith.index_cast %scan3A_100 : i32 to index
      %get3A_156 = arith.constant 64 : index
      %get3A_157 = tpu.vector_load %arg15[%get3A_155, %get3A_156] {strides = array<i32>} : memref<80x128xf32, #tpu.memory_space<vmem>>, vector<1x16xf32>,
      %get3A_158 = vector.shape_cast %get3A_157 : vector<1x16xf32> to vector<16xf32>
      %get3A_159 = arith.index_cast %scan3A_100 : i32 to index
      %get3A_160 = arith.constant 64 : index
      %get3A_161 = tpu.vector_load %arg13[%get3A_159, %get3A_160] {strides = array<i32>} : memref<80x128xf32, #tpu.memory_space<vmem>>, vector<1x16xf32>,
      %get3A_162 = vector.shape_cast %get3A_161 : vector<1x16xf32> to vector<16xf32>
      %mul3A_163 = arith.mulf %get3A_158, %get3A_162 : vector<16xf32>
      %swap3A_164 = arith.index_cast %scan3A_100 : i32 to index
      %swap3A_165 = arith.constant 64 : index
      %swap3A_166 = tpu.vector_load %arg15[%swap3A_164, %swap3A_165] {strides = array<i32>} : memref<80x128xf32, #tpu.memory_space<vmem>>, vector<1x16xf32>,
      %swap3A_167 = vector.shape_cast %swap3A_166 : vector<1x16xf32> to vector<16xf32>
      %swap3A_168 = vector.shape_cast %mul3A_163 : vector<16xf32> to vector<1x16xf32>
      tpu.vector_store %arg15[%swap3A_164, %swap3A_165], %swap3A_168 {strides = array<i32>} : memref<80x128xf32, #tpu.memory_space<vmem>>, vector<1x16xf32>,
      %get3A_169 = arith.index_cast %scan3A_100 : i32 to index
      %get3A_170 = arith.constant 80 : index
      %get3A_171 = tpu.vector_load %arg15[%get3A_169, %get3A_170] {strides = array<i32>} : memref<80x128xf32, #tpu.memory_space<vmem>>, vector<1x16xf32>,
      %get3A_172 = vector.shape_cast %get3A_171 : vector<1x16xf32> to vector<16xf32>
      %get3A_173 = arith.index_cast %scan3A_100 : i32 to index
      %get3A_174 = arith.constant 80 : index
      %get3A_175 = tpu.vector_load %arg13[%get3A_173, %get3A_174] {strides = array<i32>} : memref<80x128xf32, #tpu.memory_space<vmem>>, vector<1x16xf32>,
      %get3A_176 = vector.shape_cast %get3A_175 : vector<1x16xf32> to vector<16xf32>
      %mul3A_177 = arith.mulf %get3A_172, %get3A_176 : vector<16xf32>
      %swap3A_178 = arith.index_cast %scan3A_100 : i32 to index
      %swap3A_179 = arith.constant 80 : index
      %swap3A_180 = tpu.vector_load %arg15[%swap3A_178, %swap3A_179] {strides = array<i32>} : memref<80x128xf32, #tpu.memory_space<vmem>>, vector<1x16xf32>,
      %swap3A_181 = vector.shape_cast %swap3A_180 : vector<1x16xf32> to vector<16xf32>
      %swap3A_182 = vector.shape_cast %mul3A_177 : vector<16xf32> to vector<1x16xf32>
      tpu.vector_store %arg15[%swap3A_178, %swap3A_179], %swap3A_182 {strides = array<i32>} : memref<80x128xf32, #tpu.memory_space<vmem>>, vector<1x16xf32>,
      %get3A_183 = arith.index_cast %scan3A_100 : i32 to index
      %get3A_184 = arith.constant 96 : index
      %get3A_185 = tpu.vector_load %arg15[%get3A_183, %get3A_184] {strides = array<i32>} : memref<80x128xf32, #tpu.memory_space<vmem>>, vector<1x16xf32>,
      %get3A_186 = vector.shape_cast %get3A_185 : vector<1x16xf32> to vector<16xf32>
      %get3A_187 = arith.index_cast %scan3A_100 : i32 to index
      %get3A_188 = arith.constant 96 : index
      %get3A_189 = tpu.vector_load %arg13[%get3A_187, %get3A_188] {strides = array<i32>} : memref<80x128xf32, #tpu.memory_space<vmem>>, vector<1x16xf32>,
      %get3A_190 = vector.shape_cast %get3A_189 : vector<1x16xf32> to vector<16xf32>
      %mul3A_191 = arith.mulf %get3A_186, %get3A_190 : vector<16xf32>
      %swap3A_192 = arith.index_cast %scan3A_100 : i32 to index
      %swap3A_193 = arith.constant 96 : index
      %swap3A_194 = tpu.vector_load %arg15[%swap3A_192, %swap3A_193] {strides = array<i32>} : memref<80x128xf32, #tpu.memory_space<vmem>>, vector<1x16xf32>,
      %swap3A_195 = vector.shape_cast %swap3A_194 : vector<1x16xf32> to vector<16xf32>
      %swap3A_196 = vector.shape_cast %mul3A_191 : vector<16xf32> to vector<1x16xf32>
      tpu.vector_store %arg15[%swap3A_192, %swap3A_193], %swap3A_196 {strides = array<i32>} : memref<80x128xf32, #tpu.memory_space<vmem>>, vector<1x16xf32>,
      %get3A_197 = arith.index_cast %scan3A_100 : i32 to index
      %get3A_198 = arith.constant 112 : index
      %get3A_199 = tpu.vector_load %arg15[%get3A_197, %get3A_198] {strides = array<i32>} : memref<80x128xf32, #tpu.memory_space<vmem>>, vector<1x16xf32>,
      %get3A_200 = vector.shape_cast %get3A_199 : vector<1x16xf32> to vector<16xf32>
      %get3A_201 = arith.index_cast %scan3A_100 : i32 to index
      %get3A_202 = arith.constant 112 : index
      %get3A_203 = tpu.vector_load %arg13[%get3A_201, %get3A_202] {strides = array<i32>} : memref<80x128xf32, #tpu.memory_space<vmem>>, vector<1x16xf32>,
      %get3A_204 = vector.shape_cast %get3A_203 : vector<1x16xf32> to vector<16xf32>
      %mul3A_205 = arith.mulf %get3A_200, %get3A_204 : vector<16xf32>
      %swap3A_206 = arith.index_cast %scan3A_100 : i32 to index
      %swap3A_207 = arith.constant 112 : index
      %swap3A_208 = tpu.vector_load %arg15[%swap3A_206, %swap3A_207] {strides = array<i32>} : memref<80x128xf32, #tpu.memory_space<vmem>>, vector<1x16xf32>,
      %swap3A_209 = vector.shape_cast %swap3A_208 : vector<1x16xf32> to vector<16xf32>
      %swap3A_210 = vector.shape_cast %mul3A_205 : vector<16xf32> to vector<1x16xf32>
      tpu.vector_store %arg15[%swap3A_206, %swap3A_207], %swap3A_210 {strides = array<i32>} : memref<80x128xf32, #tpu.memory_space<vmem>>, vector<1x16xf32>,
    }
    %scan3A_77 = arith.constant 80 : i32
    %dma_wait3A_78 = arith.constant 0 : i32
    %dma_wait3A_79 = arith.constant 0 : i32
    %dma_wait3A_80 = tpu.memref_slice %arg8[%dma_wait3A_78, %dma_wait3A_79] : memref<10000x128xf32, #tpu.memory_space<vmem_shared>> -> memref<10000x128xf32, #tpu.memory_space<vmem_shared>>
    tpu.wait_indirect_dma semaphore(%arg19 : memref<!tpu.dma_semaphore, #tpu.memory_space<semaphore_mem>>) src(%arg16 : memref<80x128xf32, #tpu.memory_space<vmem>>) dst(%dma_wait3A_80 : memref<10000x128xf32, #tpu.memory_space<vmem_shared>>)
    "tpu.region"() ({
      %run_scoped3A = tpu.sem_alloc : memref<!tpu.dma_semaphore, #tpu.memory_space<semaphore_mem>>
      %dma_start3A_100 = arith.constant 0 : i32
      %dma_start3A_101 = arith.constant 0 : i32
      %dma_start3A_102 = tpu.memref_slice %arg8[%dma_start3A_100, %dma_start3A_101] : memref<10000x128xf32, #tpu.memory_space<vmem_shared>> -> memref<10000x128xf32, #tpu.memory_space<vmem_shared>>
      tpu.enqueue_indirect_dma source(%arg15 : memref<80x128xf32, #tpu.memory_space<vmem>>) target(%dma_start3A_102 : memref<10000x128xf32, #tpu.memory_space<vmem_shared>>) offsets(%arg11 : memref<80xi32, #tpu.memory_space<vmem>>) semaphore(%run_scoped3A : memref<!tpu.dma_semaphore, #tpu.memory_space<semaphore_mem>>) {add = true}
      %dma_wait3A_103 = arith.constant 0 : i32
      %dma_wait3A_104 = arith.constant 0 : i32
      %dma_wait3A_105 = tpu.memref_slice %arg8[%dma_wait3A_103, %dma_wait3A_104] : memref<10000x128xf32, #tpu.memory_space<vmem_shared>> -> memref<10000x128xf32, #tpu.memory_space<vmem_shared>>
      tpu.wait_indirect_dma semaphore(%run_scoped3A : memref<!tpu.dma_semaphore, #tpu.memory_space<semaphore_mem>>) src(%arg15 : memref<80x128xf32, #tpu.memory_space<vmem>>) dst(%dma_wait3A_105 : memref<10000x128xf32, #tpu.memory_space<vmem_shared>>)
      tpu.yield
    }) : () -> ()
    %barrier3A_81 = arith.constant 0 : index
    tpu.barrier barrier_id(%barrier3A_81)
    %eq3A_82 = arith.constant 15 : i32
    %eq3A_83 = arith.cmpi eq, %arg1, %eq3A_82 : i32
    %eq3A_84 = arith.constant false
    %eq3A_85 = arith.xori %eq3A_83, %eq3A_84 : i1
    %eq3A_86 = arith.constant true
    %eq3A_87 = arith.xori %eq3A_85, %eq3A_86 : i1
    %convert_element_type3A_88 = arith.extui %eq3A_87 : i1 to i32
    %cond3A_89 = arith.constant 0 : i32
    %cond3A_90 = arith.cmpi ne, %convert_element_type3A_88, %cond3A_89 : i32
    scf.if %cond3A_90 {
      "tpu.region"() ({
        %run_scoped3A = tpu.sem_alloc : memref<!tpu.dma_semaphore, #tpu.memory_space<semaphore_mem>>
        %dma_start3A_100 = tpu.memref_slice %arg7[%mul3A_0, %mul3A_2] : memref<10000x256xf32, #tpu.memory_space<hbm>> -> memref<624x128xf32, #tpu.memory_space<hbm>>
        %dma_start3A_101 = arith.constant 0 : i32
        %dma_start3A_102 = tpu.memref_slice %arg8[%mul3A_0, %dma_start3A_101] : memref<10000x128xf32, #tpu.memory_space<vmem_shared>> -> memref<624x128xf32, #tpu.memory_space<vmem_shared>>
        tpu.enqueue_dma source(%dma_start3A_102 : memref<624x128xf32, #tpu.memory_space<vmem_shared>>) target(%dma_start3A_100 : memref<624x128xf32, #tpu.memory_space<hbm>>) target_semaphore(%run_scoped3A : memref<!tpu.dma_semaphore, #tpu.memory_space<semaphore_mem>>)
        %dma_wait3A_103 = tpu.memref_slice %arg7[%mul3A_0, %mul3A_2] : memref<10000x256xf32, #tpu.memory_space<hbm>> -> memref<624x128xf32, #tpu.memory_space<hbm>>
        %dma_wait3A_104 = arith.constant 0 : i32
        %dma_wait3A_105 = tpu.memref_slice %arg8[%mul3A_0, %dma_wait3A_104] : memref<10000x128xf32, #tpu.memory_space<vmem_shared>> -> memref<624x128xf32, #tpu.memory_space<vmem_shared>>
        tpu.wait_dma2 semaphore(%run_scoped3A : memref<!tpu.dma_semaphore, #tpu.memory_space<semaphore_mem>>) src(%dma_wait3A_105 : memref<624x128xf32, #tpu.memory_space<vmem_shared>>) dst(%dma_wait3A_103 : memref<624x128xf32, #tpu.memory_space<hbm>>)
        tpu.yield
      }) : () -> ()
    } else {
    }
    %eq3A_91 = arith.constant 15 : i32
    %eq3A_92 = arith.cmpi eq, %arg1, %eq3A_91 : i32
    %eq3A_93 = arith.constant true
    %eq3A_94 = arith.xori %eq3A_92, %eq3A_93 : i1
    %eq3A_95 = arith.constant true
    %eq3A_96 = arith.xori %eq3A_94, %eq3A_95 : i1
    %convert_element_type3A_97 = arith.extui %eq3A_96 : i1 to i32
    %cond3A_98 = arith.constant 0 : i32
    %cond3A_99 = arith.cmpi ne, %convert_element_type3A_97, %cond3A_98 : i32
    scf.if %cond3A_99 {
      "tpu.region"() ({
        %run_scoped3A = tpu.sem_alloc : memref<!tpu.dma_semaphore, #tpu.memory_space<semaphore_mem>>
        %dma_start3A_100 = tpu.memref_slice %arg7[%mul3A_0, %mul3A_2] : memref<10000x256xf32, #tpu.memory_space<hbm>> -> memref<640x128xf32, #tpu.memory_space<hbm>>
        %dma_start3A_101 = arith.constant 0 : i32
        %dma_start3A_102 = tpu.memref_slice %arg8[%mul3A_0, %dma_start3A_101] : memref<10000x128xf32, #tpu.memory_space<vmem_shared>> -> memref<640x128xf32, #tpu.memory_space<vmem_shared>>
        tpu.enqueue_dma source(%dma_start3A_102 : memref<640x128xf32, #tpu.memory_space<vmem_shared>>) target(%dma_start3A_100 : memref<640x128xf32, #tpu.memory_space<hbm>>) target_semaphore(%run_scoped3A : memref<!tpu.dma_semaphore, #tpu.memory_space<semaphore_mem>>)
        %dma_wait3A_103 = tpu.memref_slice %arg7[%mul3A_0, %mul3A_2] : memref<10000x256xf32, #tpu.memory_space<hbm>> -> memref<640x128xf32, #tpu.memory_space<hbm>>
        %dma_wait3A_104 = arith.constant 0 : i32
        %dma_wait3A_105 = tpu.memref_slice %arg8[%mul3A_0, %dma_wait3A_104] : memref<10000x128xf32, #tpu.memory_space<vmem_shared>> -> memref<640x128xf32, #tpu.memory_space<vmem_shared>>
        tpu.wait_dma2 semaphore(%run_scoped3A : memref<!tpu.dma_semaphore, #tpu.memory_space<semaphore_mem>>) src(%dma_wait3A_105 : memref<640x128xf32, #tpu.memory_space<vmem_shared>>) dst(%dma_wait3A_103 : memref<640x128xf32, #tpu.memory_space<hbm>>)
        tpu.yield
      }) : () -> ()
    } else {
    }
    return
  }
}

</mosaic_0001>

<sc_bundles>
// kernel: _run.3.cloned.1.call-start
scs
__scs_entry_jumppad:
0x0: {  	(pc) =	sbr.rel $0x88, $3  }
0x1: {  	(tag) =	ssettag $0x0;
	lr =	simm.s32 $0x1  }
0x2: {  	[smem:$0x3F9C] =	sst lr;
	_ =	strace $0xD0000000  }
0x3: {  	_ = 	snop  }
0x4: {  	_ = 	snop  }
0x5: {  	_ = 	snop  }
0x6: {  	_ = 	snop  }
0x7: {  	_ = 	snop  }
__scs_overlays_trampoline_lowered:
0x8: {  	[smem:$0x3FAB] =	sst s0  }
0x9: {  	[smem:$0x3FAC] =	sst s1  }
0xa: {  	[smem:$0x3FAD] =	sst s2  }
0xb: {  	[smem:$0x3FAE] =	sst s3  }
0xc: {  	[smem:$0x3FAF] =	sst s4  }
0xd: {  	[smem:$0x3FB0] =	sst s5  }
0xe: {  	[smem:$0x3FB1] =	sst s6  }
0xf: {  	[smem:$0x3FB2] =	sst s7  }
0x10: {  	[smem:$0x3FB3] =	sst s8  }
0x11: {  	[smem:$0x3FB4] =	sst s9;
	s0 =	simm.s32 @!p0 $0x0  }
0x12: {  	s1 =	sld [smem:$0x3F9A];
	s0 =	simm.s32 @p0 $0x1  }
0x13: {  	[smem:$0x3FB5] =	sst s0;
	s0 =	simm.s32 @!p1 $0x0  }
0x14: {  	s2 =	sld [smem:$0x3F99];
	s0 =	simm.s32 @p1 $0x1  }
0x15: {  	[smem:$0x3FB6] =	sst s0;
	s0 =	simm.s32 @!p2 $0x0  }
0x16: {  	s3 =	sld [smem:$0x3FDB];
	s0 =	simm.s32 @p2 $0x1  }
0x17: {  	s4 =	simm.s32 $0x1BF5;
	[smem:$0x3FB8] =	sst s0  }
0x18: {  	s0 =	sld [smem:$0x3F9B];
	_ =	swait.ge [sflag:s4], $0x0  }
0x19: {  	s7 =	sld [smem:$0x3F9C]  }
0x1a: {  	s8 =	sadd.s32 $0xFFFFE003, lr  }
0x1b: {  	s9 =	sadd.s32 $0xFFFFFEF7, lr;
	s5 =	simm.s32 $0xFFFFFFFF;
	p2 =	slt.u32 s8, $0xFFFFF086  }
0x1c: {  	p1 =	slt.u32 s9, $0xF7A;
	s5 =	simm.s32 @!p2 $0x0  }
0x1d: {  	s5 =	simm.s32 @p1 $0x1;
	p0 =	seq.s32 s7, s2  }
0x1e: {  	s7 =	smul.u32 @!p0 $0xF7A, s2;
	p2 =	seq.s32 @!p0 s5, $0x0  }
0x1f: {  	s9 =	smul.u32 $0xF7A, s1;
	s8 =	simm.s32 @!p0 $0x1BF5;
	p2 =	por !p2, p0  }
0x20: {  	[sflag:s8] =	ssyncset.s32 @!p0 $0xFFFFF086;
	s6 =	sadd.s32 @!p0 s3, s7;
	s7 =	simm.s32 @!p0 $0x108  }
0x21: {  	s3 =	sadd.s32 s3, s9;
	s6 =	sadd.s32 @!p0 $0x88, s6;
	s7 =	simm.s32 @p2 $0x1082  }
0x22: {  	[simem:s7], [sflag:s8] =	dma.local @!p0 [hbm:s6], $0xF7A  }
0x23: {  	s9 =	sor.u32 $0xD0000000, s2;
	s6 =	simm.s32 $0x108;
	_ =	swait.ge @!p0 [sflag:s8], $0x0  }
0x24: {  	s3 =	sadd.s32 $0x88, s3;
	s6 =	simm.s32 @!p1 $0x1082;
	[sflag:s4] =	ssyncset.s32 $0xFFFFF086  }
0x25: {  	[simem:s6], [sflag:s4] =	dma.local [hbm:s3], $0xF7A  }
0x26: {  	[smem:$0x3F9C] =	sst s1;
	(tag) =	ssettag s2;
	_ =	strace s9  }
0x27: {  	s1 =	sld [smem:$0x3FAC]  }
0x28: {  	s2 =	sld [smem:$0x3FAD]  }
0x29: {  	s4 =	sld [smem:$0x3FAF]  }
0x2a: {  	p0 =	seq.s32 s5, $0x0;
	s5 =	sld [smem:$0x3FB0]  }
0x2b: {  	s6 =	sld [smem:$0x3FB1]  }
0x2c: {  	s7 =	sld [smem:$0x3FB2]  }
0x2d: {  	s3 =	simm.s32 $0x108;
	s8 =	sld [smem:$0x3FB3]  }
0x2e: {  	s3 =	simm.s32 @!p0 $0x1082;
	s9 =	sld [smem:$0x3FB4]  }
0x2f: {  	lr =	sadd.s32 s0, s3;
	s0 =	sld [smem:$0x3FAB]  }
0x30: {  	s3 =	sld [smem:$0x3FAE]  }
0x31: {  	[smem:$0x3FB7] =	sst s10  }
0x32: {  	s10 =	sld [smem:$0x3FB5];
	_ =	sdelay $0x3  }
0x33: {  	p0 =	seq.s32 s10, $0x1;
	s10 =	sld [smem:$0x3FB7];
	_ =	sdelay $0x3  }
0x34: {  	[smem:$0x3FB7] =	sst s10  }
0x35: {  	s10 =	sld [smem:$0x3FB6];
	_ =	sdelay $0x3  }
0x36: {  	p1 =	seq.s32 s10, $0x1;
	s10 =	sld [smem:$0x3FB7];
	_ =	sdelay $0x3  }
0x37: {  	[smem:$0x3FB7] =	sst s10  }
0x38: {  	s10 =	sld [smem:$0x3FB8]  }
0x39: {  	_ = 	snop;
	(pc) =	sbr.ind lr, $3  }
0x3a: {  	_ = 	snop  }
0x3b: {  	_ = 	snop  }
0x3c: {  	p2 =	seq.s32 s10, $0x1;
	s10 =	sld [smem:$0x3FB7]  }
0x3d: {  	_ =	shalt  }
0x3e: {  	_ =	shalt  }
0x3f: {  	_ =	shalt  }
0x40: {  	_ =	shalt  }
0x41: {  	_ =	shalt  }
0x42: {  	_ =	shalt  }
0x43: {  	_ =	shalt  }
0x44: {  	_ =	shalt  }
0x45: {  	_ =	shalt  }
0x46: {  	_ =	shalt  }
0x47: {  	_ =	shalt  }
0x48: {  	_ =	shalt  }
0x49: {  	_ =	shalt  }
0x4a: {  	_ =	shalt  }
0x4b: {  	_ =	shalt  }
0x4c: {  	_ =	shalt  }
0x4d: {  	_ =	shalt  }
0x4e: {  	_ =	shalt  }
0x4f: {  	_ =	shalt  }
0x50: {  	_ =	shalt  }
0x51: {  	_ =	shalt  }
0x52: {  	_ =	shalt  }
0x53: {  	_ =	shalt  }
0x54: {  	_ =	shalt  }
0x55: {  	_ =	shalt  }
0x56: {  	_ =	shalt  }
0x57: {  	_ =	shalt  }
0x58: {  	_ =	shalt  }
0x59: {  	_ =	shalt  }
0x5a: {  	_ =	shalt  }
0x5b: {  	_ =	shalt  }
0x5c: {  	_ =	shalt  }
0x5d: {  	_ =	shalt  }
0x5e: {  	_ =	shalt  }
0x5f: {  	_ =	shalt  }
0x60: {  	_ =	shalt  }
0x61: {  	_ =	shalt  }
0x62: {  	_ =	shalt  }
0x63: {  	_ =	shalt  }
0x64: {  	_ =	shalt  }
0x65: {  	_ =	shalt  }
0x66: {  	_ =	shalt  }
0x67: {  	_ =	shalt  }
0x68: {  	_ =	shalt  }
0x69: {  	_ =	shalt  }
0x6a: {  	_ =	shalt  }
0x6b: {  	_ =	shalt  }
0x6c: {  	_ =	shalt  }
0x6d: {  	_ =	shalt  }
0x6e: {  	_ =	shalt  }
0x6f: {  	_ =	shalt  }
0x70: {  	_ =	shalt  }
0x71: {  	_ =	shalt  }
0x72: {  	_ =	shalt  }
0x73: {  	_ =	shalt  }
0x74: {  	_ =	shalt  }
0x75: {  	_ =	shalt  }
0x76: {  	_ =	shalt  }
0x77: {  	_ =	shalt  }
0x78: {  	_ =	shalt  }
0x79: {  	_ =	shalt  }
0x7a: {  	_ =	shalt  }
0x7b: {  	_ =	shalt  }
0x7c: {  	_ =	shalt  }
0x7d: {  	_ =	shalt  }
0x7e: {  	_ =	shalt  }
0x7f: {  	_ =	shalt  }
0x80: {  	_ =	shalt  }
0x81: {  	_ =	shalt  }
0x82: {  	_ =	shalt  }
0x83: {  	_ =	shalt  }
0x84: {  	_ =	shalt  }
0x85: {  	_ =	shalt  }
0x86: {  	_ =	shalt  }
0x87: {  	_ =	shalt  }
.Lfunc_end0:
.L_simem_size_0:
called_computation_lowered:
.L_overlay_start_0:
0x88: {  	s2 =	sld [smem:$0x3FD9]  }
0x89: {  	s3 =	sld [smem:$0x3FFE];
	_ =	sdelay $0x1  }
0x8a: {  	s1 =	srdreg.scid  }
0x8b: {  	s0 =	sand.u32 $0x1, s1  }
0x8c: {  	s18 =	sshll.u32 s0, $0xA;
	s2 =	sadd.s32 s3, s2  }
0x8d: {  	s2 =	sadd.s32 s2, s18  }
0x8e: {  	[smem:$0x3FC3] =	sst s2  }
0x8f: {  	_ = 	snop  }
0x90: {  	s2 =	sld [smem:$0x3FC9]  }
0x91: {  	s19 =	sld [smem:$0x3FC8]  }
0x92: {  	s4 =	sld [smem:$0x3FC7]  }
0x93: {  	s5 =	sld [smem:$0x3FC6]  }
0x94: {  	s6 =	sld [smem:$0x3FC5]  }
0x95: {  	s7 =	sld [smem:$0x3FD0];
	(tm) =	ssettm $0x1  }
0x96: {  	s8 =	sld [smem:$0x3FFB];
	_ =	sdelay $0x3  }
0x97: {  	_ =	strace s8  }
0x98: {  	s8 =	sld [smem:$0x3FFC];
	_ =	sdelay $0x3  }
0x99: {  	_ =	strace s8  }
0x9a: {  	s8 =	sld [smem:$0x3FFD];
	_ =	sdelay $0x3  }
0x9b: {  	_ =	strace s8  }
0x9c: {  	_ =	strace $0x8FFFFFFF  }
0x9d: {  	s20 =	sld [smem:$0x3FDB];
	_ =	sdelay $0x1  }
0x9e: {  	s9 =	simm.s32 $_scs_section_size  }
0x9f: {  	s10 =	simm.s32 $_size__tile_overlayer_lowered;
	s11 =	simm.s32 $_tile_overlayer_lowered  }
0xa0: {  	s23 =	simm.s32 $0x1BFF;
	s22 =	sshll.u32 s11, $0x1;
	s8 =	sadd.s32 s9, s20  }
0xa1: {  	s12 =	simm.s32 $0x0;
	s21 =	sshll.u32 s10, $0x1;
	s10 =	sadd.s32 s22, s8  }
0xa2: {  	[timem:s12], [sflag:s23] =	dma.local [hbm:s10], s21  }
0xa3: {  	_ =	swait.ge [sflag:s23], s21  }
0xa4: {  	s9 =	ssub.s32 $0x0, s21;
	[sflag:s23] =	ssyncset.done $0x0  }
0xa5: {  	[sflag:s23] =	ssyncadd.s32 s9;
	_ =	sdelay $0x1  }
0xa6: {  	s24 =	simm.s32 $0x1B8B  }
0xa7: {  	_ =	swait.ge [sflag:s24], $0x1  }
0xa8: {  	[sflag:s24] =	ssyncset.done $0x0  }
0xa9: {  	s25 =	simm.s32 $0x1B8E;
	[sflag:s24] =	ssyncadd.s32 $0xFFFFFFFF  }
0xaa: {  	s26 =	simm.s32 $execute0_lowered;
	[smem:$0x3FD2] =	sst s25  }
0xab: {  	s9 =	sshll.u32 s26, $0x1;
	_ =	strace $0x80000046;
	[dreg:$0x1] =	wrdreg $0xFFFFFFFF  }
0xac: {  	s28 =	simm.s32 $_size_execute0_lowered;
	s8 =	sadd.s32 s8, s9;
	[dreg:$0x0] =	wrdreg $0x0  }
0xad: {  	s9 =	sshll.u32 s28, $0x1;
	[dreg:$0x2] =	wrdreg s8  }
0xae: {  	[dreg:$0x3] =	wrdreg s9  }
0xaf: {  	[dreg:$0x4] =	wrdreg $0xC0  }
0xb0: {  	_ =	task [dreg:s12], $0x5FFFF  }
0xb1: {  	[dreg:$0x1] =	wrdreg $0xFFFFFFFF  }
0xb2: {  	[dreg:$0x0] =	wrdreg $0x60  }
0xb3: {  	[dreg:$0x2] =	wrdreg s2  }
0xb4: {  	[dreg:$0x3] =	wrdreg s19  }
0xb5: {  	[dreg:$0x4] =	wrdreg s4  }
0xb6: {  	[dreg:$0x5] =	wrdreg s5  }
0xb7: {  	[dreg:$0x6] =	wrdreg s6  }
0xb8: {  	[dreg:$0x7] =	wrdreg s7  }
0xb9: {  	[dreg:$0x8] =	wrdreg $0x0  }
0xba: {  	[dreg:$0x9] =	wrdreg $0x9  }
0xbb: {  	_ =	task.clear_ibuf [dreg:s12], $0xAFFFF;
	_ =	strace $0x90000046  }
0xbc: {  	s29 =	simm.s32 $0x9;
	_ =	strace $0x80000048  }
0xbd: {  	_ =	swait.ge [sflag:s29], $0x1  }
0xbe: {  	[sflag:s29] =	ssyncadd.s32 $0xFFFFFFFF  }
0xbf: {  	_ =	strace $0x90000048  }
0xc0: {  	_ =	sfence  }
0xc1: {  	s30 =	sld [smem:$0x0];
	_ =	sdelay $0x2  }
0xc2: {  	s31 =	sshll.u32 s1, $0xD;
	s1 =	sshrl.u32 s1, $0x2  }
0xc3: {  	s3 =	sand.u32 $0x4000, s31;
	s1 =	sadd.s32 s1, s30  }
0xc4: {  	s0 =	sor.u32 s3, s0;
	s1 =	sshll.u32 s1, $0x11  }
0xc5: {  	s0 =	sor.u32 s1, s0  }
0xc6: {  	s0 =	sadd.s32 $0x8F2B, s0  }
0xc7: {  	[sflag:s0] =	ssyncadd.remote.s32 $0x1  }
0xc8: {  	_ =	sfence.sel $0xFFFF  }
0xc9: {  	[dreg:$0x0] =	wrdreg $0xFFFFFFFF;
	(pc) =	sbr.abs _section_cstart, $3  }
0xca: {  	[dreg:$0x1] =	wrdreg $0xFFFFFFFF  }
0xcb: {  	_ =	task.clear_ibuf [dreg:s12], $0x2FFFF;
	_ =	strace $0x9FFFFFFF  }
0xcc: {  	(tm) =	ssettm $0x7FFFFFFF  }
0xcd: {  	_ =	shalt  }
tec
execute0_lowered:
.L_overlay_start_1:
0x0: {  	(tag) =	ssettag $0x1  }
0x1: {  	s0 =	rddreg [dreg:$0x0]  }
0x2: {  	s1 =	rddreg [dreg:$0x1]  }
0x3: {  	s3 =	rddreg [dreg:$0x2]  }
0x4: {  	s4 =	rddreg [dreg:$0x3]  }
0x5: {  	s5 =	rddreg [dreg:$0x4]  }
0x6: {  	s2 =	rddreg [dreg:$0x5]  }
0x7: {  	s6 =	rddreg [dreg:$0x6]  }
0x8: {  	s7 =	srdreg.scid;
	s8 =	simm.s32 $0x0;
	s22 =	stileid.u32  }
0x9: {  	s28 =	simm.s32 $0x400;
	s29 =	simm.s32 $0x800;
	s11 =	smul.u32 $0x4E000, s22  }
0xa: {  	s30 =	simm.s32 $0x18A80;
	s7 =	sand.u32 $0x1, s7;
	s12 =	smul.u32 $0x2700, s22  }
0xb: {  	[smem:$0x7FF] =	sst s8;
	p2 =	sne.s32 s22, $0xF;
	s31 =	smul.u32 $0x2710, s22  }
0xc: {  	s18 =	sadd.s32 $0x124800, s6;
	s13 =	smul.u32 $0x271000, s22;
	s14 =	sadd.s32 $0x24900, s0  }
0xd: {  	s17 =	sadd.s32 $0x24900, s1;
	s9 =	ssub.s32 $0x2, s7;
	_ =	strace $0x80000047  }
0xe: {  	p0 =	seq.s32 s7, $0x0;
	[dreg:$0xb] =	wrdreg s14;
	s14 =	sshll.u32 s7, $0xA  }
0xf: {  	[dreg:$0xd] =	wrdreg s17;
	p5 =	sne.s32 s7, $0x0;
	s17 =	simm.s32 $0x13900  }
0x10: {  	[dreg:$0xa] =	wrdreg s18;
	s10 =	sshrl.u32 s9, $0x1;
	p1 =	por !p0, !p2  }
0x11: {  	s25 =	sshrl.u32 s11, $0x2;
	s26 =	sadd.s32 s0, s12;
	s15 =	sadd.s32 s1, s12  }
0x12: {  	s16 =	sshrl.u32 s31, $0x3;
	s13 =	sor.u32 s14, s13;
	s9 =	ssub.s32 s9, s10  }
0x13: {  	p1 =	por !p1, !p1;
	s23 =	sadd.s32 s25, s6;
	[dreg:$0x9] =	wrdreg s26  }
0x14: {  	[dreg:$0xc] =	wrdreg s15;
	s15 =	smul.u32 $0x27000, s22;
	s19 =	sadd.s32 s5, s16  }
0x15: {  	s13 =	sshrl.u32 s13, $0x3;
	s20 =	sadd.s32 s4, s16;
	s25 =	sshll.u32 s7, $0x7  }
0x16: {  	s10 =	simm.s32 $0x1B280;
	s16 =	simm.s32 $0x3;
	[dreg:$0xe] =	wrdreg s19  }
0x17: {  	s11 =	simm.s32 @!p1 $0x0;
	[dreg:$0xf] =	wrdreg s20;
	s21 =	sadd.s32 s3, s13  }
0x18: {  	s19 =	sadd.s32 $0x50, s31;
	s20 =	sadd.s32 $0xA0, s31;
	[dreg:$0x8] =	wrdreg s23  }
0x19: {  	s31 =	smax.u32 s9, $0x1;
	s13 =	simm.s32 $0x2;
	[dreg:$0x10] =	wrdreg s21  }
0x1a: {  	s11 =	simm.s32 @p1 $0x1;
	p1 =	seq.s32 s7, $0x1;
	[dreg:$0x13] =	wrdreg s31  }
0x1b: {  	s24 =	sor.u32 s14, s15;
	s15 =	simm.s32 $0x50;
	[smem:$0x7FD] =	sst s11  }
0x1c: {  	p3 =	por !p2, !p1;
	p2 =	seq.s32 s22, $0xF;
	s12 =	sshrl.u32 s24, $0x3  }
0x1d: {  	s24 =	simm.s32 $0x13880;
	s11 =	simm.s32 $0x0;
	p3 =	por !p3, !p3  }
0x1e: {  	p0 =	por !p0, !p2;
	s26 =	sadd.s32 s2, s12;
	s2 =	sadd.s32 s25, s2  }
0x1f: {  	s25 =	simm.s32 $0x4;
	s12 =	simm.s32 $0x1;
	p0 =	por !p0, !p0  }
0x20: {  	[dreg:$0x11] =	wrdreg s26;
	s2 =	sadd.s32 $0x49200, s2;
	s26 =	simm.s32 $0x13980  }
0x21: {  	[dreg:$0x12] =	wrdreg s2;
	p4 =	por !p0, p3;
	s2 =	simm.s32 $0x13A00  }
.LBB2_1:
0x22: {  	s7 =	sld [smem:$0x7FD];
	_ =	sdelay $0x2  }
0x23: {  	p0 =	seq.s32 s7, $0x1  }
0x24: {  	[dreg:$0x14] =	wrdreg s11;
	s7 =	sshll.u32 @p0 s22, $0x6  }
0x25: {  	s11 =	rddreg [dreg:$0x9];
	s9 =	sshrl.u32 @p0 s23, $0x3;
	s7 =	sor.u32 @p0 $0x1C04, s7  }
0x26: {  	[spmem:s9], [sflag:s7] =	dma.local @p0 [hbm:s11], $0x2700  }
0x27: {  	s7 =	simm.s32 @p0 $0x4  }
0x28: {  	p6 =	por @!p4 $0x1, $0x1;
	_ =	swait.ge @p0 [sflag:s7], $0x2700  }
0x29: {  	s9 =	simm.s32 @!p4 $0x1FC4;
	[sflag:s7] =	ssyncset.done @p0 $0x0;
	s11 =	rddreg [dreg:$0xb]  }
0x2a: {  	[sflag:s7] =	ssyncadd.s32 @p0 $0xFFFFD900;
	s7 =	sshrl.u32 @!p4 s18, $0x3;
	p0 =	por p2, p2  }
0x2b: {  	[spmem:s7], [sflag:s9] =	dma.local @!p4 [hbm:s11], $0x2800  }
0x2c: {  	p0 =	por @!p4 p6, p6  }
0x2d: {  	p6 =	por @!p3 !p0, !p1  }
0x2e: {  	s7 =	simm.s32 @!p4 $0x4;
	p6 =	por @!p3 !p6, !p6  }
0x2f: {  	_ =	swait.ge @!p4 [sflag:s7], $0x2800;
	p6 =	por !p6, p3  }
0x30: {  	[sflag:s7] =	ssyncset.done @!p4 $0x0;
	s11 =	rddreg [dreg:$0xd];
	s9 =	sshll.u32 @!p6 s22, $0x6  }
0x31: {  	[sflag:s7] =	ssyncadd.s32 @!p4 $0xFFFFD800;
	s7 =	sor.u32 @!p6 $0x1C04, s9;
	s9 =	sshrl.u32 @!p6 s18, $0x3  }
0x32: {  	[spmem:s9], [sflag:s7] =	dma.local @!p6 [hbm:s11], $0x2800  }
0x33: {  	s7 =	simm.s32 @!p6 $0x4  }
0x34: {  	_ =	swait.ge @!p6 [sflag:s7], $0x2800  }
0x35: {  	s9 =	sshll.u32 @p3 s22, $0x6;
	[sflag:s7] =	ssyncset.done @!p6 $0x0;
	s11 =	rddreg [dreg:$0xc]  }
0x36: {  	[sflag:s7] =	ssyncadd.s32 @!p6 $0xFFFFD800;
	s7 =	sor.u32 @p3 $0x1C04, s9;
	s9 =	sshrl.u32 @p3 s23, $0x3  }
0x37: {  	[spmem:s9], [sflag:s7] =	dma.local @p3 [hbm:s11], $0x2700  }
0x38: {  	s7 =	simm.s32 @p3 $0x4  }
0x39: {  	_ =	swait.ge @p3 [sflag:s7], $0x2700  }
0x3a: {  	[sflag:s7] =	ssyncset.done @p3 $0x0  }
0x3b: {  	[sflag:s7] =	ssyncadd.s32 @p3 $0xFFFFD900  }
0x3c: {  	[bflag:$0x0] =	sbarrier.arrive $0xFFFF  }
0x3d: {  	s22 =	rddreg [dreg:$0xe]  }
0x3e: {  	[tilespmem:s24], [sflag:$0x4] =	stream.linear.gather [hbm4b:s22+s8], $0x50, $0x38;
	[tilespmem:$0x1DA80] =	vst v63  }
0x3f: {  	_ =	swait.ge [sflag:s25], $0x50  }
0x40: {  	[sflag:s25] =	ssyncset.done $0x0  }
0x41: {  	s23 =	rddreg [dreg:$0xf];
	[sflag:s25] =	ssyncadd.s32 $0xFFFFFFB0  }
0x42: {  	[tilespmem:s26], [sflag:$0x4] =	stream.linear.gather [hbm4b:s23+s8], $0x50, $0x38;
	[tilespmem:$0x1DA80] =	vst v63  }
0x43: {  	_ =	swait.ge [sflag:s25], $0x50  }
0x44: {  	s21 =	simm.s32 @p1 $0x50;
	s18 =	simm.s32 @!p5 $0x50;
	[sflag:s25] =	ssyncset.done $0x0  }
0x45: {  	s9 =	simm.s32 @!p5 $0x13A80;
	s7 =	simm.s32 @!p5 $0x13880;
	[sflag:s25] =	ssyncadd.s32 $0xFFFFFFB0  }
0x46: {  	[tilespmem:s9], [sflag:$0x1] =	stream.indirect.gather @!p5 [hbm4b:s0+s18], $0x80, s7, s18, $0xb8;
	[tilespmem:$0x1DA80] =	vst v63  }
0x47: {  	p6 =	por @p3 $0x0, $0x0;
	s7 =	simm.s32 @p1 $0x13880;
	s9 =	simm.s32 @p1 $0x13A80  }
0x48: {  	[tilespmem:s9], [sflag:$0x1] =	stream.indirect.gather @p1 [hbm4b:s1+s21], $0x80, s7, s21, $0xb8;
	[tilespmem:$0x1DA80] =	vst v63  }
0x49: {  	p6 =	por @!p3 p0, p0;
	s22 =	simm.s32 $0x0;
	s31 =	rddreg [dreg:$0x10]  }
0x4a: {  	[tilespmem:s30], [sflag:$0x2] =	stream.strided.gather [hbm4b:s31+s28], $0x2800, s29, s28, $0x38;
	[tilespmem:$0x1DA80] =	vst v63  }
.LBB2_2:
0x4b: {  	p0 =	seq.s32 s22, $0x0;
	s23 =	smul.u32 $0xA0, s22  }
0x4c: {  	s7 =	simm.s32 @!p0 $0x3  }
0x4d: {  	_ =	swait.ge @!p0 [sflag:s7], $0x2800;
	s9 =	sadd.s32 s23, s19  }
0x4e: {  	[sflag:s7] =	ssyncset.done @!p0 $0x0;
	s11 =	sshrl.u32 s9, $0x3  }
0x4f: {  	[sflag:s7] =	ssyncadd.s32 @!p0 $0xFFFFD800;
	s31 =	sadd.s32 s5, s11  }
0x50: {  	[tilespmem:s17], [sflag:$0x4] =	stream.linear.gather [hbm4b:s31+s8], $0x50, $0x38;
	[tilespmem:$0x1DA80] =	vst v63  }
0x51: {  	_ =	swait.ge [sflag:s25], $0x50  }
0x52: {  	[sflag:s25] =	ssyncset.done $0x0  }
0x53: {  	s11 =	sadd.s32 s4, s11;
	[sflag:s25] =	ssyncadd.s32 $0xFFFFFFB0  }
0x54: {  	[tilespmem:s2], [sflag:$0x4] =	stream.linear.gather [hbm4b:s11+s8], $0x50, $0x38;
	[tilespmem:$0x1DA80] =	vst v63  }
0x55: {  	_ =	swait.ge [sflag:s25], $0x50  }
0x56: {  	[sflag:s25] =	ssyncset.done $0x0  }
0x57: {  	s7 =	simm.s32 @!p5 $0x13900;
	s11 =	simm.s32 @!p5 $0x16280;
	[sflag:s25] =	ssyncadd.s32 $0xFFFFFFB0  }
0x58: {  	[tilespmem:s11], [sflag:$0x1] =	stream.indirect.gather @!p5 [hbm4b:s0+s18], $0x80, s7, s18, $0xb8;
	[tilespmem:$0x1DA80] =	vst v63  }
0x59: {  	s31 =	sshll.u32 s9, $0x8;
	s7 =	simm.s32 @p1 $0x13900;
	s11 =	simm.s32 @p1 $0x16280  }
0x5a: {  	[tilespmem:s11], [sflag:$0x1] =	stream.indirect.gather @p1 [hbm4b:s1+s21], $0x80, s7, s21, $0xb8;
	[tilespmem:$0x1DA80] =	vst v63  }
0x5b: {  	s7 =	sor.u32 s14, s31  }
0x5c: {  	s7 =	sshrl.u32 s7, $0x3  }
0x5d: {  	s7 =	sadd.s32 s3, s7  }
0x5e: {  	[tilespmem:s10], [sflag:$0x2] =	stream.strided.gather [hbm4b:s7+s28], $0x2800, s29, s28, $0x38;
	[tilespmem:$0x1DA80] =	vst v63  }
0x5f: {  	_ =	swait.ge [sflag:s12], $0x2800  }
0x60: {  	[sflag:s12] =	ssyncset.done $0x0  }
0x61: {  	[sflag:s12] =	ssyncadd.s32 $0xFFFFD800  }
0x62: {  	_ =	swait.ge [sflag:s13], $0x2800  }
0x63: {  	[sflag:s13] =	ssyncset.done $0x0  }
0x64: {  	s7 =	simm.s32 $0x0;
	[sflag:s13] =	ssyncadd.s32 $0xFFFFD800  }
0x65: {  	v7 =	vld [tilespmem:s7+$0x13A80]  }
0x66: {  	v11 =	vld [tilespmem:s7+$0x13A90]  }
0x67: {  	v5 =	vld [tilespmem:s7+$0x13AA0]  }
0x68: {  	v4 =	vld [tilespmem:s7+$0x13AB0]  }
0x69: {  	v3 =	vld [tilespmem:s7+$0x13AC0]  }
0x6a: {  	v2 =	vld [tilespmem:s7+$0x13AD0]  }
0x6b: {  	v1 =	vld [tilespmem:s7+$0x13AE0]  }
0x6c: {  	v0 =	vld [tilespmem:s7+$0x13AF0]  }
0x6d: {  	v12 =	vld [tilespmem:s7+$0x18A80]  }
0x6e: {  	v13 =	vld [tilespmem:s7+$0x18A90]  }
0x6f: {  	v10 =	vld [tilespmem:s7+$0x18AA0]  }
0x70: {  	v9 =	vld [tilespmem:s7+$0x18AB0]  }
0x71: {  	v8 =	vld [tilespmem:s7+$0x18AC0]  }
0x72: {  	v6 =	vld [tilespmem:s7+$0x18AD0];
	v12 =	vmul.f32 v7, v12  }
0x73: {  	s9 =	simm.s32 $0x200;
	v11 =	vmul.f32 v11, v13;
	v7 =	vld [tilespmem:s7+$0x18AE0]  }
.LBB2_3:
0x74: {  	s11 =	sshra.s32 s9, $0x2;
	p0 =	sne.s32 s9, $0x9E00;
	[tilespmem:s7+$0x18A80] =	vst v12;
	v5 =	vmul.f32 v5, v10;
	v10 =	vld [tilespmem:s7+$0x18AF0]  }
0x75: {  	v12 =	vld [tilespmem:s11+$0x13A80];
	[tilespmem:s7+$0x18A90] =	vst v11;
	v4 =	vmul.f32 v4, v9  }
0x76: {  	v11 =	vld [tilespmem:s11+$0x13A90];
	[tilespmem:s7+$0x18AA0] =	vst v5;
	v3 =	vmul.f32 v3, v8  }
0x77: {  	v5 =	vld [tilespmem:s11+$0x13AA0];
	[tilespmem:s7+$0x18AB0] =	vst v4;
	v2 =	vmul.f32 v2, v6  }
0x78: {  	v4 =	vld [tilespmem:s11+$0x13AB0];
	[tilespmem:s7+$0x18AC0] =	vst v3;
	v1 =	vmul.f32 v1, v7  }
0x79: {  	v3 =	vld [tilespmem:s11+$0x13AC0];
	[tilespmem:s7+$0x18AD0] =	vst v2;
	v0 =	vmul.f32 v0, v10  }
0x7a: {  	v2 =	vld [tilespmem:s11+$0x13AD0];
	[tilespmem:s7+$0x18AE0] =	vst v1  }
0x7b: {  	v1 =	vld [tilespmem:s11+$0x13AE0];
	[tilespmem:s7+$0x18AF0] =	vst v0;
	s7 =	smov.u32 s11  }
0x7c: {  	v0 =	vld [tilespmem:s7+$0x13AF0]  }
0x7d: {  	v6 =	vld [tilespmem:s7+$0x18A80]  }
0x7e: {  	v7 =	vld [tilespmem:s7+$0x18A90]  }
.Ltmp0:
0x7f: {  	v10 =	vld [tilespmem:s7+$0x18AA0];
	(pc) =	sbr.rel @p0 .LBB2_3-.Ltmp0, $4  }
0x80: {  	v9 =	vld [tilespmem:s7+$0x18AB0]  }
0x81: {  	v8 =	vld [tilespmem:s7+$0x18AC0]  }
0x82: {  	v12 =	vmul.f32 v12, v6;
	v6 =	vld [tilespmem:s7+$0x18AD0]  }
0x83: {  	s9 =	sadd.s32 $0x200, s9;
	v11 =	vmul.f32 v11, v7;
	v7 =	vld [tilespmem:s7+$0x18AE0]  }
0x84: {  	[tilespmem:s7+$0x18A80] =	vst v12;
	v5 =	vmul.f32 v5, v10;
	v10 =	vld [tilespmem:s7+$0x18AF0]  }
0x85: {  	[tilespmem:s7+$0x18A90] =	vst v11;
	v4 =	vmul.f32 v4, v9  }
0x86: {  	[tilespmem:s7+$0x18AA0] =	vst v5;
	v3 =	vmul.f32 v3, v8  }
0x87: {  	[tilespmem:s7+$0x18AB0] =	vst v4;
	v2 =	vmul.f32 v2, v6  }
0x88: {  	[tilespmem:s7+$0x18AC0] =	vst v3;
	v1 =	vmul.f32 v1, v7  }
0x89: {  	[tilespmem:s7+$0x18AD0] =	vst v2;
	v0 =	vmul.f32 v0, v10  }
0x8a: {  	[tilespmem:s7+$0x18AE0] =	vst v1  }
0x8b: {  	[tilespmem:s7+$0x18AF0] =	vst v0  }
0x8c: {  	[spmem:s6] =	stream.indirect.scatter.add.f32 [tilespmem:s30], [sflag:$0x3], $0x80, s26, s15, $0xb8;
	[tilespmem:$0x1DA80] =	vst v63  }
0x8d: {  	_ =	swait.ge [sflag:s12], $0x2800  }
0x8e: {  	[sflag:s12] =	ssyncset.done $0x0  }
0x8f: {  	[sflag:s12] =	ssyncadd.s32 $0xFFFFD800  }
0x90: {  	_ =	swait.ge [sflag:s13], $0x2800  }
0x91: {  	[sflag:s13] =	ssyncset.done $0x0  }
0x92: {  	s7 =	simm.s32 $0x0;
	[sflag:s13] =	ssyncadd.s32 $0xFFFFD800  }
0x93: {  	v7 =	vld [tilespmem:s7+$0x16280]  }
0x94: {  	v11 =	vld [tilespmem:s7+$0x16290]  }
0x95: {  	v5 =	vld [tilespmem:s7+$0x162A0]  }
0x96: {  	v4 =	vld [tilespmem:s7+$0x162B0]  }
0x97: {  	v3 =	vld [tilespmem:s7+$0x162C0]  }
0x98: {  	v2 =	vld [tilespmem:s7+$0x162D0]  }
0x99: {  	v1 =	vld [tilespmem:s7+$0x162E0]  }
0x9a: {  	v0 =	vld [tilespmem:s7+$0x162F0]  }
0x9b: {  	v12 =	vld [tilespmem:s7+$0x1B280]  }
0x9c: {  	v13 =	vld [tilespmem:s7+$0x1B290]  }
0x9d: {  	v10 =	vld [tilespmem:s7+$0x1B2A0]  }
0x9e: {  	v9 =	vld [tilespmem:s7+$0x1B2B0]  }
0x9f: {  	v8 =	vld [tilespmem:s7+$0x1B2C0]  }
0xa0: {  	v6 =	vld [tilespmem:s7+$0x1B2D0];
	v12 =	vmul.f32 v7, v12  }
0xa1: {  	s9 =	simm.s32 $0x200;
	v11 =	vmul.f32 v11, v13;
	v7 =	vld [tilespmem:s7+$0x1B2E0]  }
.LBB2_5:
0xa2: {  	s11 =	sshra.s32 s9, $0x2;
	p0 =	sne.s32 s9, $0x9E00;
	[tilespmem:s7+$0x1B280] =	vst v12;
	v5 =	vmul.f32 v5, v10;
	v10 =	vld [tilespmem:s7+$0x1B2F0]  }
0xa3: {  	v12 =	vld [tilespmem:s11+$0x16280];
	[tilespmem:s7+$0x1B290] =	vst v11;
	v4 =	vmul.f32 v4, v9  }
0xa4: {  	v11 =	vld [tilespmem:s11+$0x16290];
	[tilespmem:s7+$0x1B2A0] =	vst v5;
	v3 =	vmul.f32 v3, v8  }
0xa5: {  	v5 =	vld [tilespmem:s11+$0x162A0];
	[tilespmem:s7+$0x1B2B0] =	vst v4;
	v2 =	vmul.f32 v2, v6  }
0xa6: {  	v4 =	vld [tilespmem:s11+$0x162B0];
	[tilespmem:s7+$0x1B2C0] =	vst v3;
	v1 =	vmul.f32 v1, v7  }
0xa7: {  	v3 =	vld [tilespmem:s11+$0x162C0];
	[tilespmem:s7+$0x1B2D0] =	vst v2;
	v0 =	vmul.f32 v0, v10  }
0xa8: {  	v2 =	vld [tilespmem:s11+$0x162D0];
	[tilespmem:s7+$0x1B2E0] =	vst v1  }
0xa9: {  	v1 =	vld [tilespmem:s11+$0x162E0];
	[tilespmem:s7+$0x1B2F0] =	vst v0;
	s7 =	smov.u32 s11  }
0xaa: {  	v0 =	vld [tilespmem:s7+$0x162F0]  }
0xab: {  	v6 =	vld [tilespmem:s7+$0x1B280]  }
0xac: {  	v7 =	vld [tilespmem:s7+$0x1B290]  }
.Ltmp1:
0xad: {  	v10 =	vld [tilespmem:s7+$0x1B2A0];
	(pc) =	sbr.rel @p0 .LBB2_5-.Ltmp1, $4  }
0xae: {  	v9 =	vld [tilespmem:s7+$0x1B2B0]  }
0xaf: {  	v8 =	vld [tilespmem:s7+$0x1B2C0]  }
0xb0: {  	v12 =	vmul.f32 v12, v6;
	v6 =	vld [tilespmem:s7+$0x1B2D0]  }
0xb1: {  	s9 =	sadd.s32 $0x200, s9;
	v11 =	vmul.f32 v11, v7;
	v7 =	vld [tilespmem:s7+$0x1B2E0]  }
0xb2: {  	[tilespmem:s7+$0x1B280] =	vst v12;
	v5 =	vmul.f32 v5, v10;
	v63 =	vld [tilespmem:s7+$0x1B2F0]  }
0xb3: {  	[tilespmem:s7+$0x1B290] =	vst v11;
	v4 =	vmul.f32 v4, v9  }
0xb4: {  	[tilespmem:s7+$0x1B2A0] =	vst v5;
	v3 =	vmul.f32 v3, v8  }
0xb5: {  	[tilespmem:s7+$0x1B2B0] =	vst v4;
	v2 =	vmul.f32 v2, v6  }
0xb6: {  	[tilespmem:s7+$0x1B2C0] =	vst v3;
	v1 =	vmul.f32 v1, v7  }
0xb7: {  	[tilespmem:s7+$0x1B2D0] =	vst v2;
	v0 =	vmul.f32 v0, v63  }
0xb8: {  	[tilespmem:s7+$0x1B2E0] =	vst v1  }
0xb9: {  	[tilespmem:s7+$0x1B2F0] =	vst v0  }
0xba: {  	s31 =	sadd.s32 s23, s20;
	_ =	swait.ge [sflag:s16], $0x2800  }
0xbb: {  	s9 =	sshrl.u32 s31, $0x3;
	[sflag:s16] =	ssyncset.done $0x0  }
0xbc: {  	s11 =	sadd.s32 s5, s9;
	[sflag:s16] =	ssyncadd.s32 $0xFFFFD800  }
0xbd: {  	[tilespmem:s24], [sflag:$0x4] =	stream.linear.gather [hbm4b:s11+s8], $0x50, $0x38;
	[tilespmem:$0x1DA80] =	vst v63  }
0xbe: {  	_ =	swait.ge [sflag:s25], $0x50  }
0xbf: {  	[sflag:s25] =	ssyncset.done $0x0  }
0xc0: {  	s23 =	simm.s32 @!p5 $0x13A80;
	s9 =	sadd.s32 s4, s9;
	[sflag:s25] =	ssyncadd.s32 $0xFFFFFFB0  }
0xc1: {  	[tilespmem:s26], [sflag:$0x4] =	stream.linear.gather [hbm4b:s9+s8], $0x50, $0x38;
	[tilespmem:$0x1DA80] =	vst v63  }
0xc2: {  	s22 =	sadd.s32 $0x1, s22;
	s7 =	sshll.u32 s31, $0x8;
	_ =	swait.ge [sflag:s25], $0x50  }
0xc3: {  	p0 =	sne.s32 s22, $0x3E;
	s7 =	sor.u32 s14, s7;
	[sflag:s25] =	ssyncset.done $0x0  }
0xc4: {  	s11 =	simm.s32 @!p5 $0x13880;
	s9 =	simm.s32 @!p5 $0x50;
	[sflag:s25] =	ssyncadd.s32 $0xFFFFFFB0  }
0xc5: {  	[tilespmem:s23], [sflag:$0x1] =	stream.indirect.gather @!p5 [hbm4b:s0+s9], $0x80, s11, s9, $0xb8;
	[tilespmem:$0x1DA80] =	vst v63  }
0xc6: {  	s9 =	simm.s32 @p1 $0x50;
	s11 =	simm.s32 @p1 $0x13880;
	s23 =	simm.s32 @p1 $0x13A80  }
0xc7: {  	[tilespmem:s23], [sflag:$0x1] =	stream.indirect.gather @p1 [hbm4b:s1+s9], $0x80, s11, s9, $0xb8;
	[tilespmem:$0x1DA80] =	vst v63  }
.Ltmp2:
0xc8: {  	s7 =	sshrl.u32 s7, $0x3;
	(pc) =	sbr.rel @p0 .LBB2_2-.Ltmp2, $4  }
0xc9: {  	s7 =	sadd.s32 s3, s7  }
0xca: {  	[tilespmem:s30], [sflag:$0x2] =	stream.strided.gather [hbm4b:s7+s28], $0x2800, s29, s28, $0x38;
	[tilespmem:$0x1DA80] =	vst v63  }
0xcb: {  	_ = 	snop  }
0xcc: {  	[spmem:s6] =	stream.indirect.scatter.add.f32 [tilespmem:s10], [sflag:$0x3], $0x80, s2, s15, $0xb8;
	[tilespmem:$0x1DA80] =	vst v63  }
0xcd: {  	_ =	swait.ge [sflag:s12], $0x2800  }
0xce: {  	[sflag:s12] =	ssyncset.done $0x0  }
0xcf: {  	[sflag:s12] =	ssyncadd.s32 $0xFFFFD800  }
0xd0: {  	_ =	swait.ge [sflag:s13], $0x2800  }
0xd1: {  	[sflag:s13] =	ssyncset.done $0x0  }
0xd2: {  	s7 =	simm.s32 $0x0;
	[sflag:s13] =	ssyncadd.s32 $0xFFFFD800  }
0xd3: {  	v7 =	vld [tilespmem:s7+$0x13A80]  }
0xd4: {  	v11 =	vld [tilespmem:s7+$0x13A90]  }
0xd5: {  	v5 =	vld [tilespmem:s7+$0x13AA0]  }
0xd6: {  	v4 =	vld [tilespmem:s7+$0x13AB0]  }
0xd7: {  	v3 =	vld [tilespmem:s7+$0x13AC0]  }
0xd8: {  	v2 =	vld [tilespmem:s7+$0x13AD0]  }
0xd9: {  	v1 =	vld [tilespmem:s7+$0x13AE0]  }
0xda: {  	v0 =	vld [tilespmem:s7+$0x13AF0]  }
0xdb: {  	v12 =	vld [tilespmem:s7+$0x18A80]  }
0xdc: {  	v13 =	vld [tilespmem:s7+$0x18A90]  }
0xdd: {  	v10 =	vld [tilespmem:s7+$0x18AA0]  }
0xde: {  	v9 =	vld [tilespmem:s7+$0x18AB0]  }
0xdf: {  	v8 =	vld [tilespmem:s7+$0x18AC0]  }
0xe0: {  	v6 =	vld [tilespmem:s7+$0x18AD0];
	v12 =	vmul.f32 v7, v12  }
0xe1: {  	s9 =	simm.s32 $0x200;
	v11 =	vmul.f32 v11, v13;
	v7 =	vld [tilespmem:s7+$0x18AE0]  }
.LBB2_8:
0xe2: {  	s11 =	sshra.s32 s9, $0x2;
	p0 =	sne.s32 s9, $0x9E00;
	[tilespmem:s7+$0x18A80] =	vst v12;
	v5 =	vmul.f32 v5, v10;
	v10 =	vld [tilespmem:s7+$0x18AF0]  }
0xe3: {  	v12 =	vld [tilespmem:s11+$0x13A80];
	[tilespmem:s7+$0x18A90] =	vst v11;
	v4 =	vmul.f32 v4, v9  }
0xe4: {  	v11 =	vld [tilespmem:s11+$0x13A90];
	[tilespmem:s7+$0x18AA0] =	vst v5;
	v3 =	vmul.f32 v3, v8  }
0xe5: {  	v5 =	vld [tilespmem:s11+$0x13AA0];
	[tilespmem:s7+$0x18AB0] =	vst v4;
	v2 =	vmul.f32 v2, v6  }
0xe6: {  	v4 =	vld [tilespmem:s11+$0x13AB0];
	[tilespmem:s7+$0x18AC0] =	vst v3;
	v1 =	vmul.f32 v1, v7  }
0xe7: {  	v3 =	vld [tilespmem:s11+$0x13AC0];
	[tilespmem:s7+$0x18AD0] =	vst v2;
	v0 =	vmul.f32 v0, v10  }
0xe8: {  	v2 =	vld [tilespmem:s11+$0x13AD0];
	[tilespmem:s7+$0x18AE0] =	vst v1  }
0xe9: {  	v1 =	vld [tilespmem:s11+$0x13AE0];
	[tilespmem:s7+$0x18AF0] =	vst v0;
	s7 =	smov.u32 s11  }
0xea: {  	v0 =	vld [tilespmem:s7+$0x13AF0]  }
0xeb: {  	v6 =	vld [tilespmem:s7+$0x18A80]  }
0xec: {  	v7 =	vld [tilespmem:s7+$0x18A90]  }
.Ltmp3:
0xed: {  	v10 =	vld [tilespmem:s7+$0x18AA0];
	(pc) =	sbr.rel @p0 .LBB2_8-.Ltmp3, $4  }
0xee: {  	v9 =	vld [tilespmem:s7+$0x18AB0]  }
0xef: {  	v8 =	vld [tilespmem:s7+$0x18AC0]  }
0xf0: {  	v12 =	vmul.f32 v12, v6;
	v6 =	vld [tilespmem:s7+$0x18AD0]  }
0xf1: {  	s9 =	sadd.s32 $0x200, s9;
	v11 =	vmul.f32 v11, v7;
	v7 =	vld [tilespmem:s7+$0x18AE0]  }
0xf2: {  	[tilespmem:s7+$0x18A80] =	vst v12;
	v5 =	vmul.f32 v5, v10;
	v63 =	vld [tilespmem:s7+$0x18AF0]  }
0xf3: {  	[tilespmem:s7+$0x18A90] =	vst v11;
	v4 =	vmul.f32 v4, v9  }
0xf4: {  	[tilespmem:s7+$0x18AA0] =	vst v5;
	v3 =	vmul.f32 v3, v8  }
0xf5: {  	[tilespmem:s7+$0x18AB0] =	vst v4;
	v2 =	vmul.f32 v2, v6  }
0xf6: {  	[tilespmem:s7+$0x18AC0] =	vst v3;
	v1 =	vmul.f32 v1, v7  }
0xf7: {  	[tilespmem:s7+$0x18AD0] =	vst v2;
	v0 =	vmul.f32 v0, v63  }
0xf8: {  	[tilespmem:s7+$0x18AE0] =	vst v1  }
0xf9: {  	[tilespmem:s7+$0x18AF0] =	vst v0  }
0xfa: {  	_ =	swait.ge [sflag:s16], $0x2800  }
0xfb: {  	[sflag:s16] =	ssyncset.done $0x0  }
0xfc: {  	[sflag:s16] =	ssyncadd.s32 $0xFFFFD800  }
0xfd: {  	[spmem:s6] =	stream.indirect.scatter.add.f32 [tilespmem:s30], [sflag:$0x4], $0x80, s26, s15, $0xb8;
	[tilespmem:$0x1DA80] =	vst v63  }
0xfe: {  	_ =	swait.ge [sflag:s25], $0x2800  }
0xff: {  	[sflag:s25] =	ssyncset.done $0x0  }
0x100: {  	s22 =	stileid.u32;
	[sflag:s25] =	ssyncadd.s32 $0xFFFFD800  }
0x101: {  	s11 =	simm.s32 @!p2 $0x8;
	s18 =	simm.s32 @!p2 $0x100;
	[bflag:$0x0] =	sbarrier.arrive $0xFFFF  }
0x102: {  	s21 =	simm.s32 @!p2 $0x80;
	s7 =	sshll.u32 @!p2 s22, $0x6;
	s23 =	rddreg [dreg:$0x8]  }
0x103: {  	s7 =	sor.u32 @!p2 $0x1C04, s7;
	s17 =	rddreg [dreg:$0x11];
	s9 =	sshrl.u32 @!p2 s23, $0x3  }
0x104: {  	[hbm:s17@s18], [sflag:s7] =	dma.strided @!p2 [spmem:s9@s21], $0x2700, s11, $0x10   }
0x105: {  	s7 =	simm.s32 @!p2 $0x4  }
0x106: {  	s9 =	sshll.u32 @p6 s22, $0x6;
	_ =	swait.ge @!p2 [sflag:s7], $0x2700  }
0x107: {  	s11 =	simm.s32 @p6 $0x8;
	s17 =	simm.s32 @p6 $0x100;
	s18 =	rddreg [dreg:$0xa]  }
0x108: {  	s21 =	simm.s32 @p6 $0x80;
	[sflag:s7] =	ssyncset.done @!p2 $0x0;
	s31 =	rddreg [dreg:$0x12]  }
0x109: {  	[sflag:s7] =	ssyncadd.s32 @!p2 $0xFFFFD900;
	s7 =	sor.u32 @p6 $0x1C04, s9;
	s9 =	sshrl.u32 @p6 s18, $0x3  }
0x10a: {  	[hbm:s31@s17], [sflag:s7] =	dma.strided @p6 [spmem:s9@s21], $0x2800, s11, $0x10   }
0x10b: {  	s7 =	simm.s32 @p6 $0x4  }
0x10c: {  	_ =	swait.ge @p6 [sflag:s7], $0x2800  }
0x10d: {  	s21 =	rddreg [dreg:$0x14]  }
0x10e: {  	s31 =	rddreg [dreg:$0x13];
	s11 =	sadd.s32 $0x1, s21  }
0x10f: {  	p0 =	sne.s32 s11, s31  }
.Ltmp4:
0x110: {  	_ = 	snop;
	(pc) =	sbr.rel @p0 .LBB2_1-.Ltmp4, $3  }
0x111: {  	_ =	sdelay $0x1  }
0x112: {  	[sflag:s7] =	ssyncset.done @p6 $0x0  }
0x113: {  	s17 =	simm.s32 $0x13900;
	[sflag:s7] =	ssyncadd.s32 @p6 $0xFFFFD800  }
0x114: {  	_ =	sfence.sel $0x180000  }
0x115: {  	[bflag:$0x0] =	sbarrier.arrive $0xFFFF  }
0x116: {  	_ =	strace $0x90000047  }
0x117: {  	[bflag:$0x2] =	sbarrier.arrive $0xFFFF  }
0x118: {  	p0 =	sne.s32 s22, $0x0;
	s0 =	rddreg [dreg:$0x7]  }
0x119: {  	s0 =	sadd.s32 @!p0 $0x100000, s0  }
0x11a: {  	[sflag:s0] =	ssyncadd.tile.s32 @!p0 $0x1;
	_ =	shalt  }
.Lfunc_end2:
_tile_overlayer_lowered:
.L_overlay_start_2:
0x11b: {  	(tag) =	ssettag $0x2  }
0x11c: {  	s0 =	rddreg [dreg:$0x0];
	s2 =	stileid.u32  }
0x11d: {  	s1 =	rddreg [dreg:$0x1];
	p0 =	sne.s32 s2, $0x0  }
0x11e: {  	s3 =	rddreg [dreg:$0x2];
	[bflag:$0x3] =	sbarrier.arrive $0xFFFF;
	s2 =	simm.s32 @!p0 $0x1C04  }
0x11f: {  	[timem:s3], [sflag:s2] =	dma.local @!p0 [hbm:s0], s1  }
0x120: {  	s0 =	simm.s32 @!p0 $0x4  }
0x121: {  	_ =	swait.ge @!p0 [sflag:s0], s1  }
0x122: {  	s1 =	ssub.s32 @!p0 $0x0, s1;
	[sflag:s0] =	ssyncset.done @!p0 $0x0  }
0x123: {  	[sflag:s0] =	ssyncadd.s32 @!p0 s1  }
0x124: {  	[bflag:$0x3] =	sbarrier.arrive $0xFFFF  }
0x125: {  	_ =	shalt  }

</sc_bundles>
